<compile_context>
chip_gen: v7x
topology: tpu7x:2x2x1
jax: 0.10.2.dev20260603
libtpu: 0.0.44.dev20260713+nightly
codegen_flags: <defaults>
</compile_context>

<pallas_src>
import jax
import jax.numpy as jnp
from jax import lax
from jax.experimental import pallas as pl
from jax.experimental.pallas import tpu as pltpu
from jax.experimental.pallas import tpu_sc as plsc

N = 50000
E = 800000
D_IN = 128
H = 64
OUT = 64
G = 64

CHUNK = 128
HW = 32
NCHUNK = 6272
CPS = NCHUNK // 16
CPS_DEG = NCHUNK // 32
SS = 28
NSUP = CPS // SS
E_PAD = NCHUNK * CHUNK
DUMMY = N
ACC_ROWS = 51200
N_PAD = 50048
WB = N_PAD // 16
ZB = ACC_ROWS // 16 // CHUNK

BM = 2000
GRID = N // BM

_SC_PARAMS = pltpu.CompilerParams(use_tc_tiling_on_sc=False,
                                  needs_layout_passes=False)
_PREC = lax.Precision.DEFAULT



def _agg_body(flag_hbm, y2_hbm, src_hbm, dst_hbm, out_hbm, deg_hbm,
              sidx, didx, rows0, rows1, zbuf, fbuf, acc, sem0, sem1, semi):
    c = lax.axis_index("c")
    s = lax.axis_index("s")
    one32 = jnp.full((32,), 1.0, jnp.bfloat16)
    zero32 = jnp.zeros((32,), jnp.bfloat16)

    @pl.loop(0, CHUNK)
    def _(r):
        rows0[r, pl.ds(0, 32)] = one32
        zbuf[r, pl.ds(0, 32)] = zero32

    pltpu.sync_copy(flag_hbm, fbuf)
    fl = jnp.sum(fbuf[...])

    def zero_acc():
        @pl.loop(0, ZB)
        def _(i):
            pltpu.sync_copy(zbuf, acc.at[pl.ds(s * (ACC_ROWS // 16) + i * CHUNK,
                                               CHUNK)])

    @pl.when(fl > 0)
    def _():
        zero_acc()
        plsc.subcore_barrier()
        cbase = c * (NCHUNK // 2) + s * CPS_DEG

        @pl.loop(0, CPS_DEG // SS)
        def _(sg):
            pltpu.sync_copy(dst_hbm.at[pl.ds(cbase + sg * SS, SS)], didx.at[0])

            @pl.loop(0, SS)
            def _(k):
                pltpu.sync_copy(rows0, acc.at[didx.at[0].at[k]], add=True)

        plsc.subcore_barrier()
        pltpu.sync_copy(acc.at[pl.ds(s * WB, WB)],
                        deg_hbm.at[c].at[pl.ds(s * WB, WB)])
        plsc.subcore_barrier()

    zero_acc()

    def load_super(b, sg):
        base = s * CPS + sg * SS
        pltpu.async_copy(src_hbm.at[pl.ds(base, SS)], sidx.at[b], semi)
        pltpu.async_copy(dst_hbm.at[pl.ds(base, SS)], didx.at[b], semi)

    def wait_super(b, sg):
        base = s * CPS + sg * SS
        pltpu.make_async_copy(src_hbm.at[pl.ds(base, SS)], sidx.at[b],
                              semi).wait()
        pltpu.make_async_copy(dst_hbm.at[pl.ds(base, SS)], didx.at[b],
                              semi).wait()

    def gather_super(b):
        def start(k, rbuf, sem):
            pltpu.async_copy(y2_hbm.at[c].at[sidx.at[b].at[k]], rbuf, sem)

        def finish(k, rbuf, sem):
            pltpu.make_async_copy(y2_hbm.at[c].at[sidx.at[b].at[k]], rbuf,
                                  sem).wait()
            pltpu.sync_copy(rbuf, acc.at[didx.at[b].at[k]], add=True)

        start(0, rows0, sem0)

        @pl.loop(0, SS // 2)
        def _(p):
            k = 2 * p
            start(k + 1, rows1, sem1)
            finish(k, rows0, sem0)

            @pl.when(p < SS // 2 - 1)
            def _():
                start(k + 2, rows0, sem0)

            finish(k + 1, rows1, sem1)

    load_super(0, 0)
    plsc.subcore_barrier()

    @pl.loop(0, NSUP // 2)
    def _(sp):
        sg0 = 2 * sp
        wait_super(0, sg0)
        load_super(1, sg0 + 1)
        gather_super(0)
        wait_super(1, sg0 + 1)

        @pl.when(sp < NSUP // 2 - 1)
        def _():
            load_super(0, sg0 + 2)

        gather_super(1)

    plsc.subcore_barrier()
    pltpu.sync_copy(acc.at[pl.ds(s * WB, WB)],
                    out_hbm.at[c].at[pl.ds(s * WB, WB)])


def _sc_agg(flag, y4, src_p, dst_p):
    k = pl.kernel(
        _agg_body,
        out_type=[jax.ShapeDtypeStruct((2, N_PAD, HW), jnp.bfloat16),
                  jax.ShapeDtypeStruct((2, N_PAD, HW), jnp.bfloat16)],
        mesh=plsc.VectorSubcoreMesh(core_axis_name="c", subcore_axis_name="s"),
        compiler_params=_SC_PARAMS,
        scratch_types=[
            pltpu.VMEM((2, SS, CHUNK), jnp.int32),
            pltpu.VMEM((2, SS, CHUNK), jnp.int32),
            pltpu.VMEM((CHUNK, HW), jnp.bfloat16),
            pltpu.VMEM((CHUNK, HW), jnp.bfloat16),
            pltpu.VMEM((CHUNK, HW), jnp.bfloat16),
            pltpu.VMEM((16,), jnp.int32),
            pltpu.VMEM_SHARED((ACC_ROWS, HW), jnp.bfloat16),
            pltpu.SemaphoreType.DMA,
            pltpu.SemaphoreType.DMA,
            pltpu.SemaphoreType.DMA,
        ],
    )
    return k(flag, y4, src_p, dst_p)



def _tc_in_body(x_ref, wfc_ref, bfc_ref, wl_ref, wr_ref, b_ref, y4_ref, z_ref):
    h = jnp.dot(x_ref[...], wfc_ref[...], precision=_PREC) + bfc_ref[...]
    h = jnp.maximum(h, 0.0)
    y = jnp.dot(h, wl_ref[...], precision=_PREC).astype(jnp.bfloat16)
    y4_ref[0] = y[:, :HW]
    y4_ref[1] = y[:, HW:]
    z_ref[...] = jnp.dot(h, wr_ref[...], precision=_PREC) + b_ref[...]


def _tc_in(x, W_fc, b_fc, Wl, Wr, b):
    return pl.pallas_call(
        _tc_in_body,
        grid=(GRID,),
        in_specs=[
            pl.BlockSpec((BM, D_IN), lambda i: (i, 0)),
            pl.BlockSpec((D_IN, H), lambda i: (0, 0)),
            pl.BlockSpec((1, H), lambda i: (0, 0)),
            pl.BlockSpec((H, H), lambda i: (0, 0)),
            pl.BlockSpec((H, H), lambda i: (0, 0)),
            pl.BlockSpec((1, H), lambda i: (0, 0)),
        ],
        out_specs=[
            pl.BlockSpec((2, BM, HW), lambda i: (0, i, 0)),
            pl.BlockSpec((BM, H), lambda i: (i, 0)),
        ],
        out_shape=[
            jax.ShapeDtypeStruct((2, N, HW), jnp.bfloat16),
            jax.ShapeDtypeStruct((N, H), jnp.float32),
        ],
    )(x, W_fc, b_fc, Wl, Wr, b)


def _mid_body(l_ref, agg_ref, deg_in_ref, z_ref, deg_ref, g_ref, be_ref,
              wl_ref, wr_ref, b_ref, y4_ref, z2_ref, deg2_ref, traw_ref):
    lv = l_ref[0, 0]
    agg = jnp.concatenate(
        [agg_ref[0], agg_ref[1]], axis=1).astype(jnp.float32)
    deg_new = (deg_in_ref[0, :, 0:1] + deg_in_ref[1, :, 0:1]
               ).astype(jnp.float32)
    deg = jnp.where(lv == 1, deg_new, deg_ref[...])
    deg2_ref[...] = deg
    inv = 1.0 / jnp.maximum(deg, 1.0)
    traw = agg * inv + z_ref[...]
    traw_ref[...] = traw
    mu = jnp.mean(traw, axis=-1, keepdims=True)
    var = jnp.mean((traw - mu) * (traw - mu), axis=-1, keepdims=True)
    t = (traw - mu) * lax.rsqrt(var + 1e-5) * g_ref[...] + be_ref[...]
    t = jnp.maximum(t, 0.0)
    y = jnp.dot(t, wl_ref[...], precision=_PREC).astype(jnp.bfloat16)
    y4_ref[0] = y[:, :HW]
    y4_ref[1] = y[:, HW:]
    z2_ref[...] = jnp.dot(t, wr_ref[...], precision=_PREC) + b_ref[...]


def _tc_mid(lflag, aggM, degM, z, deg, g, be, Wl, Wr, b):
    return pl.pallas_call(
        _mid_body,
        grid=(GRID,),
        in_specs=[
            pl.BlockSpec((1, 1), lambda i: (0, 0)),
            pl.BlockSpec((2, BM, HW), lambda i: (0, i, 0)),
            pl.BlockSpec((2, BM, HW), lambda i: (0, i, 0)),
            pl.BlockSpec((BM, H), lambda i: (i, 0)),
            pl.BlockSpec((BM, 1), lambda i: (i, 0)),
            pl.BlockSpec((1, H), lambda i: (0, 0)),
            pl.BlockSpec((1, H), lambda i: (0, 0)),
            pl.BlockSpec((H, H), lambda i: (0, 0)),
            pl.BlockSpec((H, H), lambda i: (0, 0)),
            pl.BlockSpec((1, H), lambda i: (0, 0)),
        ],
        out_specs=[
            pl.BlockSpec((2, BM, HW), lambda i: (0, i, 0)),
            pl.BlockSpec((BM, H), lambda i: (i, 0)),
            pl.BlockSpec((BM, 1), lambda i: (i, 0)),
            pl.BlockSpec((BM, H), lambda i: (i, 0)),
        ],
        out_shape=[
            jax.ShapeDtypeStruct((2, N, HW), jnp.bfloat16),
            jax.ShapeDtypeStruct((N, H), jnp.float32),
            jax.ShapeDtypeStruct((N, 1), jnp.float32),
            jax.ShapeDtypeStruct((N, H), jnp.float32),
        ],
    )(lflag, aggM, degM, z, deg, g, be, Wl, Wr, b)


def _pool_body(ne_ref, batch_ref, ge_ref):
    i = pl.program_id(0)
    node = ne_ref[...]
    b = batch_ref[0, 0]
    p = (b[:, None] == lax.broadcasted_iota(jnp.int32, (BM, G), 1)
         ).astype(jnp.float32)
    contrib = lax.dot_general(p, node, (((0,), (0,)), ((), ())),
                              precision=_PREC)

    @pl.when(i == 0)
    def _():
        ge_ref[...] = jnp.zeros_like(ge_ref)

    ge_ref[...] += contrib


def _tc_pool(node_embed, batch2):
    return pl.pallas_call(
        _pool_body,
        grid=(GRID,),
        in_specs=[
            pl.BlockSpec((BM, OUT), lambda i: (i, 0)),
            pl.BlockSpec((1, 1, BM), lambda i: (i, 0, 0)),
        ],
        out_specs=pl.BlockSpec((G, OUT), lambda i: (0, 0)),
        out_shape=jax.ShapeDtypeStruct((G, OUT), jnp.float32),
    )(node_embed, batch2)



def kernel(x, edge_index, batch, W_fc, b_fc,
           Wl1, bl1, Wr1, br1, g1, be1,
           Wl2, bl2, Wr2, br2, g2, be2,
           Wl3, bl3, Wr3, br3):
    src = edge_index[0]
    dst = edge_index[1]
    src_p = jnp.concatenate(
        [src, jnp.zeros((E_PAD - E,), jnp.int32)]).reshape(NCHUNK, CHUNK)
    dst_p = jnp.concatenate(
        [dst, jnp.full((E_PAD - E,), DUMMY, jnp.int32)]).reshape(NCHUNK, CHUNK)
    batch2 = batch.reshape(GRID, 1, BM)

    y1, z1 = _tc_in(x, W_fc, b_fc.reshape(1, H), Wl1, Wr1,
                    (bl1 + br1).reshape(1, H))

    ones64 = jnp.ones((1, H), jnp.float32)
    zeros64 = jnp.zeros((1, H), jnp.float32)
    zerosW = jnp.zeros((H, H), jnp.float32)
    xs = (
        jnp.array([[[1]], [[2]], [[3]]], jnp.int32),
        jnp.stack([jnp.ones((16,), jnp.int32)] +
                  [jnp.zeros((16,), jnp.int32)] * 2),
        jnp.stack([g1.reshape(1, H), g2.reshape(1, H), ones64]),
        jnp.stack([be1.reshape(1, H), be2.reshape(1, H), zeros64]),
        jnp.stack([Wl2, Wl3, zerosW]),
        jnp.stack([Wr2, Wr3, zerosW]),
        jnp.stack([(bl2 + br2).reshape(1, H),
                   (bl3 + br3).reshape(1, H), zeros64]),
    )

    def body(carry, xts):
        y4, z, deg, _ = carry
        lflag, scflag, g, be, Wl, Wr, b = xts
        aggM, degM = _sc_agg(scflag, y4, src_p, dst_p)
        y4n, zn, degn, traw = _tc_mid(lflag, aggM, degM, z, deg, g, be,
                                      Wl, Wr, b)
        return (y4n, zn, degn, traw), None

    init = (y1, z1, jnp.zeros((N, 1), jnp.float32),
            jnp.zeros((N, H), jnp.float32))
    (_, _, _, node_embed), _ = lax.scan(body, init, xs)
    graph_embed = _tc_pool(node_embed, batch2)
    return node_embed, graph_embed

# --- scband reference (transcript-rebuilt; emitter-appended) ---
"""Pipeline reference for scband-simple-net-83064667504978 (READ-ONLY COPY).

The authoritative reference and input builder live on the scoring server;
editing this copy changes nothing except your own understanding.
"""

import jax, jax.numpy as jnp
import numpy as np

N = 50000
E = 800000
D_IN = 128
H = 64
OUT = 64
G = 64


def _layernorm(x, g, b):
    mu = jnp.mean(x, axis=-1, keepdims=True)
    var = jnp.var(x, axis=-1, keepdims=True)
    return (x - mu) / jnp.sqrt(var + 1e-5) * g + b


def _sage_conv(x, edge_index, Wl, bl, Wr, br, n_nodes):
    # PyG-style SAGEConv with mean aggregation:
    # out = lin_l(mean_{j in N(i)} x_j) + lin_r(x_i)
    src = edge_index[0]
    dst = edge_index[1]
    msgs = x[src]  # gather: [E, d]
    agg = jax.ops.segment_sum(msgs, dst, num_segments=n_nodes)
    deg = jax.ops.segment_sum(jnp.ones((edge_index.shape[1],), x.dtype), dst, num_segments=n_nodes)
    agg = agg / jnp.clip(deg, 1.0)[:, None]
    return agg @ Wl + bl + x @ Wr + br


def setup_inputs(seed: int = 0) -> dict:
    key = jax.random.key(seed)
    ks = jax.random.split(key, 24)
    x = jax.random.normal(ks[0], (N, D_IN), dtype=jnp.float32)
    edge_index = jax.random.randint(ks[1], (2, E), 0, N, dtype=jnp.int32)
    batch = jnp.sort(jax.random.randint(ks[2], (N,), 0, G, dtype=jnp.int32))
    s = 0.05
    W_fc = jax.random.normal(ks[3], (D_IN, H), dtype=jnp.float32) * s
    b_fc = jnp.zeros((H,), dtype=jnp.float32)
    Wl1 = jax.random.normal(ks[4], (H, H), dtype=jnp.float32) * s
    bl1 = jnp.zeros((H,), dtype=jnp.float32)
    Wr1 = jax.random.normal(ks[5], (H, H), dtype=jnp.float32) * s
    br1 = jnp.zeros((H,), dtype=jnp.float32)
    g1 = jnp.ones((H,), dtype=jnp.float32)
    be1 = jnp.zeros((H,), dtype=jnp.float32)
    Wl2 = jax.random.normal(ks[6], (H, H), dtype=jnp.float32) * s
    bl2 = jnp.zeros((H,), dtype=jnp.float32)
    Wr2 = jax.random.normal(ks[7], (H, H), dtype=jnp.float32) * s
    br2 = jnp.zeros((H,), dtype=jnp.float32)
    g2 = jnp.ones((H,), dtype=jnp.float32)
    be2 = jnp.zeros((H,), dtype=jnp.float32)
    Wl3 = jax.random.normal(ks[8], (H, OUT), dtype=jnp.float32) * s
    bl3 = jnp.zeros((OUT,), dtype=jnp.float32)
    Wr3 = jax.random.normal(ks[9], (H, OUT), dtype=jnp.float32) * s
    br3 = jnp.zeros((OUT,), dtype=jnp.float32)
    return {
        "x": x, "edge_index": edge_index, "batch": batch,
        "W_fc": W_fc, "b_fc": b_fc,
        "Wl1": Wl1, "bl1": bl1, "Wr1": Wr1, "br1": br1, "g1": g1, "be1": be1,
        "Wl2": Wl2, "bl2": bl2, "Wr2": Wr2, "br2": br2, "g2": g2, "be2": be2,
        "Wl3": Wl3, "bl3": bl3, "Wr3": Wr3, "br3": br3,
    }


def reference(x, edge_index, batch, W_fc, b_fc,
              Wl1, bl1, Wr1, br1, g1, be1,
              Wl2, bl2, Wr2, br2, g2, be2,
              Wl3, bl3, Wr3, br3):
    # SimpleNet.forward: fc + relu, then 3-layer GraphSAGE with layer norm,
    # relu between layers, and additive graph pooling at the end.
    h = jax.nn.relu(x @ W_fc + b_fc)
    h = _sage_conv(h, edge_index, Wl1, bl1, Wr1, br1, N)
    h = jax.nn.relu(_layernorm(h, g1, be1))
    h = _sage_conv(h, edge_index, Wl2, bl2, Wr2, br2, N)
    h = jax.nn.relu(_layernorm(h, g2, be2))
    node_embed = _sage_conv(h, edge_index, Wl3, bl3, Wr3, br3, N)
    graph_embed = jax.ops.segment_sum(node_embed, batch, num_segments=G)
    return node_embed, graph_embed

if __name__ == "__main__":
    import jax
    _d = setup_inputs()
    print(jax.jit(kernel)(*tuple(_d.values())))

</pallas_src>

<mosaic_0001>
#map = affine_map<(d0, d1) -> (0)>
#map1 = affine_map<(d0, d1) -> (0, 0, 0)>
#map2 = affine_map<(d0, d1) -> (0, 0)>
module attributes {stable_mosaic.version = 14 : i64} {
  func.func @_agg_body(%arg0: i32, %arg1: i32, %arg2: memref<16xi32, #tpu.memory_space<hbm>>, %arg3: memref<2x50000x32xbf16, #tpu.memory_space<hbm>>, %arg4: memref<6272x128xi32, #tpu.memory_space<hbm>>, %arg5: memref<6272x128xi32, #tpu.memory_space<hbm>>, %arg6: memref<2x50048x32xbf16, #tpu.memory_space<hbm>>, %arg7: memref<2x50048x32xbf16, #tpu.memory_space<hbm>>, %arg8: memref<2x28x128xi32, #tpu.memory_space<vmem>>, %arg9: memref<2x28x128xi32, #tpu.memory_space<vmem>>, %arg10: memref<128x32xbf16, #tpu.memory_space<vmem>>, %arg11: memref<128x32xbf16, #tpu.memory_space<vmem>>, %arg12: memref<128x32xbf16, #tpu.memory_space<vmem>>, %arg13: memref<16xi32, #tpu.memory_space<vmem>>, %arg14: memref<51200x32xbf16, #tpu.memory_space<vmem_shared>>, %arg15: memref<!tpu.dma_semaphore, #tpu.memory_space<semaphore_mem>>, %arg16: memref<!tpu.dma_semaphore, #tpu.memory_space<semaphore_mem>>, %arg17: memref<!tpu.dma_semaphore, #tpu.memory_space<semaphore_mem>>) attributes {dimension_semantics = [#tpu.dimension_semantics<core_parallel>, #tpu.dimension_semantics<subcore_parallel>], iteration_bounds = array<i64: 2, 16>, scalar_prefetch = 0 : i64, scratch_operands = 10 : i64, tpu.core_type = #tpu.core_type<sc_vector_subcore>, window_params = [{transform_indices = #map}, {transform_indices = #map1}, {transform_indices = #map2}, {transform_indices = #map2}, {transform_indices = #map1}, {transform_indices = #map1}]} {
    %broadcast_in_dim3A = arith.constant 1.000000e+00 : bf16
    %broadcast_in_dim3A_0 = vector.broadcast %broadcast_in_dim3A : bf16 to vector<32xbf16>
    %broadcast_in_dim3A_1 = arith.constant 0.000000e+00 : bf16
    %broadcast_in_dim3A_2 = vector.broadcast %broadcast_in_dim3A_1 : bf16 to vector<32xbf16>
    %scan3A = arith.constant 0 : i32
    %scan3A_3 = arith.constant 128 : i32
    %scan3A_4 = arith.addi %scan3A, %scan3A_3 : i32
    %scan3A_5 = arith.constant 1 : i32
    scf.for %scan3A_55 = %scan3A to %scan3A_4 step %scan3A_5  : i32 {
      %mul3A_56 = arith.constant 1 : i32
      %mul3A_57 = arith.muli %scan3A_55, %mul3A_56 : i32
      %add3A_58 = arith.constant 0 : i32
      %add3A_59 = arith.addi %add3A_58, %mul3A_57 : i32
      %swap3A = arith.index_cast %add3A_59 : i32 to index
      %swap3A_60 = arith.constant 0 : index
      %swap3A_61 = tpu.vector_load %arg10[%swap3A, %swap3A_60] {strides = array<i32>} : memref<128x32xbf16, #tpu.memory_space<vmem>>, vector<32xbf16>,
      tpu.vector_store %arg10[%swap3A, %swap3A_60], %broadcast_in_dim3A_0 {strides = array<i32>} : memref<128x32xbf16, #tpu.memory_space<vmem>>, vector<32xbf16>,
      %swap3A_62 = arith.index_cast %add3A_59 : i32 to index
      %swap3A_63 = arith.constant 0 : index
      %swap3A_64 = tpu.vector_load %arg12[%swap3A_62, %swap3A_63] {strides = array<i32>} : memref<128x32xbf16, #tpu.memory_space<vmem>>, vector<32xbf16>,
      tpu.vector_store %arg12[%swap3A_62, %swap3A_63], %broadcast_in_dim3A_2 {strides = array<i32>} : memref<128x32xbf16, #tpu.memory_space<vmem>>, vector<32xbf16>,
    }
    %scan3A_6 = arith.constant 128 : i32
    "tpu.region"() ({
      %run_scoped3A = tpu.sem_alloc : memref<!tpu.dma_semaphore, #tpu.memory_space<semaphore_mem>>
      tpu.enqueue_dma source(%arg2 : memref<16xi32, #tpu.memory_space<hbm>>) target(%arg13 : memref<16xi32, #tpu.memory_space<vmem>>) target_semaphore(%run_scoped3A : memref<!tpu.dma_semaphore, #tpu.memory_space<semaphore_mem>>)
      tpu.wait_dma2 semaphore(%run_scoped3A : memref<!tpu.dma_semaphore, #tpu.memory_space<semaphore_mem>>) src(%arg2 : memref<16xi32, #tpu.memory_space<hbm>>) dst(%arg13 : memref<16xi32, #tpu.memory_space<vmem>>)
      tpu.yield
    }) : () -> ()
    %get3A = arith.constant 0 : index
    %get3A_7 = tpu.vector_load %arg13[%get3A] {strides = array<i32>} : memref<16xi32, #tpu.memory_space<vmem>>, vector<16xi32>,
    %reduce_sum3A = arith.constant true
    %reduce_sum3A_8 = vector.broadcast %reduce_sum3A : i1 to vector<16xi1>
    %reduce_sum3A_9 = tpu.scan <sum>, %get3A_7 masked %reduce_sum3A_8 : vector<16xi32>, vector<16xi1> -> vector<16xi32>
    %reduce_sum3A_10 = vector.extract %reduce_sum3A_9[15] : i32 from vector<16xi32>
    %gt3A = arith.constant 0 : i32
    %gt3A_11 = arith.cmpi sgt, %reduce_sum3A_10, %gt3A : i32
    %convert_element_type3A = arith.extui %gt3A_11 : i1 to i32
    %cond3A = arith.constant 0 : i32
    %cond3A_12 = arith.cmpi ne, %convert_element_type3A, %cond3A : i32
    scf.if %cond3A_12 {
      %scan3A_55 = arith.constant 0 : i32
      %scan3A_56 = arith.constant 25 : i32
      %scan3A_57 = arith.addi %scan3A_55, %scan3A_56 : i32
      %scan3A_58 = arith.constant 1 : i32
      scf.for %scan3A_77 = %scan3A_55 to %scan3A_57 step %scan3A_58  : i32 {
        %mul3A_78 = arith.constant 1 : i32
        %mul3A_79 = arith.muli %scan3A_77, %mul3A_78 : i32
        %add3A_80 = arith.constant 0 : i32
        %add3A_81 = arith.addi %add3A_80, %mul3A_79 : i32
        %mul3A_82 = arith.constant 3200 : i32
        %mul3A_83 = arith.muli %arg1, %mul3A_82 : i32
        %mul3A_84 = arith.constant 128 : i32
        %mul3A_85 = arith.muli %add3A_81, %mul3A_84 : i32
        %add3A_86 = arith.addi %mul3A_83, %mul3A_85 : i32
        "tpu.region"() ({
          %run_scoped3A = tpu.sem_alloc : memref<!tpu.dma_semaphore, #tpu.memory_space<semaphore_mem>>
          %dma_start3A_87 = arith.constant 0 : i32
          %dma_start3A_88 = tpu.memref_slice %arg14[%add3A_86, %dma_start3A_87] : memref<51200x32xbf16, #tpu.memory_space<vmem_shared>> -> memref<128x32xbf16, #tpu.memory_space<vmem_shared>>
          %dma_start3A_89 = arith.constant 0 : i32
          %dma_start3A_90 = tpu.memref_slice %arg14[%add3A_86, %dma_start3A_89] : memref<51200x32xbf16, #tpu.memory_space<vmem_shared>> -> memref<128x32xbf16, #tpu.memory_space<vmem_shared>>
          tpu.enqueue_dma source(%arg12 : memref<128x32xbf16, #tpu.memory_space<vmem>>) target(%dma_start3A_90 : memref<128x32xbf16, #tpu.memory_space<vmem_shared>>) target_semaphore(%run_scoped3A : memref<!tpu.dma_semaphore, #tpu.memory_space<semaphore_mem>>)
          %dma_wait3A = arith.constant 0 : i32
          %dma_wait3A_91 = tpu.memref_slice %arg14[%add3A_86, %dma_wait3A] : memref<51200x32xbf16, #tpu.memory_space<vmem_shared>> -> memref<128x32xbf16, #tpu.memory_space<vmem_shared>>
          %dma_wait3A_92 = arith.constant 0 : i32
          %dma_wait3A_93 = tpu.memref_slice %arg14[%add3A_86, %dma_wait3A_92] : memref<51200x32xbf16, #tpu.memory_space<vmem_shared>> -> memref<128x32xbf16, #tpu.memory_space<vmem_shared>>
          tpu.wait_dma2 semaphore(%run_scoped3A : memref<!tpu.dma_semaphore, #tpu.memory_space<semaphore_mem>>) src(%arg12 : memref<128x32xbf16, #tpu.memory_space<vmem>>) dst(%dma_wait3A_93 : memref<128x32xbf16, #tpu.memory_space<vmem_shared>>)
          tpu.yield
        }) : () -> ()
      }
      %scan3A_59 = arith.constant 25 : i32
      %barrier3A_60 = arith.constant 0 : index
      tpu.barrier barrier_id(%barrier3A_60)
      %mul3A_61 = arith.constant 3136 : i32
      %mul3A_62 = arith.muli %arg0, %mul3A_61 : i32
      %mul3A_63 = arith.constant 196 : i32
      %mul3A_64 = arith.muli %arg1, %mul3A_63 : i32
      %add3A_65 = arith.addi %mul3A_62, %mul3A_64 : i32
      %scan3A_66 = arith.constant 0 : i32
      %scan3A_67 = arith.constant 7 : i32
      %scan3A_68 = arith.addi %scan3A_66, %scan3A_67 : i32
      %scan3A_69 = arith.constant 1 : i32
      scf.for %scan3A_77 = %scan3A_66 to %scan3A_68 step %scan3A_69  : i32 {
        %mul3A_78 = arith.constant 1 : i32
        %mul3A_79 = arith.muli %scan3A_77, %mul3A_78 : i32
        %add3A_80 = arith.constant 0 : i32
        %add3A_81 = arith.addi %add3A_80, %mul3A_79 : i32
        %mul3A_82 = arith.constant 28 : i32
        %mul3A_83 = arith.muli %add3A_81, %mul3A_82 : i32
        %add3A_84 = arith.addi %add3A_65, %mul3A_83 : i32
        %run_scoped3A = arith.constant 0 : i32
        "tpu.region"() ({
          %run_scoped3A_90 = tpu.sem_alloc : memref<!tpu.dma_semaphore, #tpu.memory_space<semaphore_mem>>
          %dma_start3A_91 = arith.constant 0 : i32
          %dma_start3A_92 = arith.constant 0 : i32
          %dma_start3A_93 = tpu.memref_slice %arg9[%run_scoped3A, %dma_start3A_91, %dma_start3A_92] : memref<2x28x128xi32, #tpu.memory_space<vmem>> -> memref<1x28x128xi32, #tpu.memory_space<vmem>>
          %dma_start3A_94 = tpu.memref_squeeze %dma_start3A_93 : memref<1x28x128xi32, #tpu.memory_space<vmem>> -> memref<28x128xi32, #tpu.memory_space<vmem>>
          %dma_start3A_95 = arith.constant 0 : i32
          %dma_start3A_96 = tpu.memref_slice %arg5[%add3A_84, %dma_start3A_95] : memref<6272x128xi32, #tpu.memory_space<hbm>> -> memref<28x128xi32, #tpu.memory_space<hbm>>
          %dma_start3A_97 = arith.constant 0 : i32
          %dma_start3A_98 = arith.constant 0 : i32
          %dma_start3A_99 = tpu.memref_slice %arg9[%run_scoped3A, %dma_start3A_97, %dma_start3A_98] : memref<2x28x128xi32, #tpu.memory_space<vmem>> -> memref<1x28x128xi32, #tpu.memory_space<vmem>>
          %dma_start3A_100 = tpu.memref_squeeze %dma_start3A_99 : memref<1x28x128xi32, #tpu.memory_space<vmem>> -> memref<28x128xi32, #tpu.memory_space<vmem>>
          %dma_start3A_101 = arith.constant 0 : i32
          %dma_start3A_102 = tpu.memref_slice %arg5[%add3A_84, %dma_start3A_101] : memref<6272x128xi32, #tpu.memory_space<hbm>> -> memref<28x128xi32, #tpu.memory_space<hbm>>
          tpu.enqueue_dma source(%dma_start3A_102 : memref<28x128xi32, #tpu.memory_space<hbm>>) target(%dma_start3A_100 : memref<28x128xi32, #tpu.memory_space<vmem>>) target_semaphore(%run_scoped3A_90 : memref<!tpu.dma_semaphore, #tpu.memory_space<semaphore_mem>>)
          %dma_wait3A = arith.constant 0 : i32
          %dma_wait3A_103 = arith.constant 0 : i32
          %dma_wait3A_104 = tpu.memref_slice %arg9[%run_scoped3A, %dma_wait3A, %dma_wait3A_103] : memref<2x28x128xi32, #tpu.memory_space<vmem>> -> memref<1x28x128xi32, #tpu.memory_space<vmem>>
          %dma_wait3A_105 = tpu.memref_squeeze %dma_wait3A_104 : memref<1x28x128xi32, #tpu.memory_space<vmem>> -> memref<28x128xi32, #tpu.memory_space<vmem>>
          %dma_wait3A_106 = arith.constant 0 : i32
          %dma_wait3A_107 = tpu.memref_slice %arg5[%add3A_84, %dma_wait3A_106] : memref<6272x128xi32, #tpu.memory_space<hbm>> -> memref<28x128xi32, #tpu.memory_space<hbm>>
          %dma_wait3A_108 = arith.constant 0 : i32
          %dma_wait3A_109 = arith.constant 0 : i32
          %dma_wait3A_110 = tpu.memref_slice %arg9[%run_scoped3A, %dma_wait3A_108, %dma_wait3A_109] : memref<2x28x128xi32, #tpu.memory_space<vmem>> -> memref<1x28x128xi32, #tpu.memory_space<vmem>>
          %dma_wait3A_111 = tpu.memref_squeeze %dma_wait3A_110 : memref<1x28x128xi32, #tpu.memory_space<vmem>> -> memref<28x128xi32, #tpu.memory_space<vmem>>
          %dma_wait3A_112 = arith.constant 0 : i32
          %dma_wait3A_113 = tpu.memref_slice %arg5[%add3A_84, %dma_wait3A_112] : memref<6272x128xi32, #tpu.memory_space<hbm>> -> memref<28x128xi32, #tpu.memory_space<hbm>>
          tpu.wait_dma2 semaphore(%run_scoped3A_90 : memref<!tpu.dma_semaphore, #tpu.memory_space<semaphore_mem>>) src(%dma_wait3A_113 : memref<28x128xi32, #tpu.memory_space<hbm>>) dst(%dma_wait3A_111 : memref<28x128xi32, #tpu.memory_space<vmem>>)
          tpu.yield
        }) : () -> ()
        %scan3A_85 = arith.constant 0 : i32
        %scan3A_86 = arith.constant 28 : i32
        %scan3A_87 = arith.addi %scan3A_85, %scan3A_86 : i32
        %scan3A_88 = arith.constant 1 : i32
        scf.for %scan3A_90 = %scan3A_85 to %scan3A_87 step %scan3A_88  : i32 {
          %mul3A_91 = arith.constant 1 : i32
          %mul3A_92 = arith.muli %scan3A_90, %mul3A_91 : i32
          %add3A_93 = arith.constant 0 : i32
          %add3A_94 = arith.addi %add3A_93, %mul3A_92 : i32
          %run_scoped3A_95 = arith.constant 0 : i32
          "tpu.region"() ({
            %run_scoped3A_96 = tpu.sem_alloc : memref<!tpu.dma_semaphore, #tpu.memory_space<semaphore_mem>>
            %dma_start3A_97 = arith.constant 0 : i32
            %dma_start3A_98 = arith.constant 0 : i32
            %dma_start3A_99 = tpu.memref_slice %arg9[%run_scoped3A_95, %dma_start3A_97, %dma_start3A_98] : memref<2x28x128xi32, #tpu.memory_space<vmem>> -> memref<1x28x128xi32, #tpu.memory_space<vmem>>
            %dma_start3A_100 = tpu.memref_squeeze %dma_start3A_99 : memref<1x28x128xi32, #tpu.memory_space<vmem>> -> memref<28x128xi32, #tpu.memory_space<vmem>>
            %dma_start3A_101 = arith.constant 0 : i32
            %dma_start3A_102 = tpu.memref_slice %dma_start3A_100[%add3A_94, %dma_start3A_101] : memref<28x128xi32, #tpu.memory_space<vmem>> -> memref<1x128xi32, #tpu.memory_space<vmem>>
            %dma_start3A_103 = tpu.memref_squeeze %dma_start3A_102 : memref<1x128xi32, #tpu.memory_space<vmem>> -> memref<128xi32, #tpu.memory_space<vmem>>
            %dma_start3A_104 = arith.constant 0 : i32
            %dma_start3A_105 = arith.constant 0 : i32
            %dma_start3A_106 = tpu.memref_slice %arg14[%dma_start3A_104, %dma_start3A_105] : memref<51200x32xbf16, #tpu.memory_space<vmem_shared>> -> memref<51200x32xbf16, #tpu.memory_space<vmem_shared>>
            tpu.enqueue_indirect_dma source(%arg10 : memref<128x32xbf16, #tpu.memory_space<vmem>>) target(%dma_start3A_106 : memref<51200x32xbf16, #tpu.memory_space<vmem_shared>>) offsets(%dma_start3A_103 : memref<128xi32, #tpu.memory_space<vmem>>) semaphore(%run_scoped3A_96 : memref<!tpu.dma_semaphore, #tpu.memory_space<semaphore_mem>>) {add = true}
            %dma_wait3A = arith.constant 0 : i32
            %dma_wait3A_107 = arith.constant 0 : i32
            %dma_wait3A_108 = tpu.memref_slice %arg9[%run_scoped3A_95, %dma_wait3A, %dma_wait3A_107] : memref<2x28x128xi32, #tpu.memory_space<vmem>> -> memref<1x28x128xi32, #tpu.memory_space<vmem>>
            %dma_wait3A_109 = tpu.memref_squeeze %dma_wait3A_108 : memref<1x28x128xi32, #tpu.memory_space<vmem>> -> memref<28x128xi32, #tpu.memory_space<vmem>>
            %dma_wait3A_110 = arith.constant 0 : i32
            %dma_wait3A_111 = tpu.memref_slice %dma_wait3A_109[%add3A_94, %dma_wait3A_110] : memref<28x128xi32, #tpu.memory_space<vmem>> -> memref<1x128xi32, #tpu.memory_space<vmem>>
            %dma_wait3A_112 = tpu.memref_squeeze %dma_wait3A_111 : memref<1x128xi32, #tpu.memory_space<vmem>> -> memref<128xi32, #tpu.memory_space<vmem>>
            %dma_wait3A_113 = arith.constant 0 : i32
            %dma_wait3A_114 = arith.constant 0 : i32
            %dma_wait3A_115 = tpu.memref_slice %arg14[%dma_wait3A_113, %dma_wait3A_114] : memref<51200x32xbf16, #tpu.memory_space<vmem_shared>> -> memref<51200x32xbf16, #tpu.memory_space<vmem_shared>>
            tpu.wait_indirect_dma semaphore(%run_scoped3A_96 : memref<!tpu.dma_semaphore, #tpu.memory_space<semaphore_mem>>) src(%arg10 : memref<128x32xbf16, #tpu.memory_space<vmem>>) dst(%dma_wait3A_115 : memref<51200x32xbf16, #tpu.memory_space<vmem_shared>>)
            tpu.yield
          }) : () -> ()
        }
        %scan3A_89 = arith.constant 28 : i32
      }
      %scan3A_70 = arith.constant 7 : i32
      %barrier3A_71 = arith.constant 0 : index
      tpu.barrier barrier_id(%barrier3A_71)
      %mul3A_72 = arith.constant 3128 : i32
      %mul3A_73 = arith.muli %arg1, %mul3A_72 : i32
      %mul3A_74 = arith.constant 3128 : i32
      %mul3A_75 = arith.muli %arg1, %mul3A_74 : i32
      "tpu.region"() ({
        %run_scoped3A = tpu.sem_alloc : memref<!tpu.dma_semaphore, #tpu.memory_space<semaphore_mem>>
        %dma_start3A_77 = arith.constant 0 : i32
        %dma_start3A_78 = arith.constant 0 : i32
        %dma_start3A_79 = tpu.memref_slice %arg7[%arg0, %dma_start3A_77, %dma_start3A_78] : memref<2x50048x32xbf16, #tpu.memory_space<hbm>> -> memref<1x50048x32xbf16, #tpu.memory_space<hbm>>
        %dma_start3A_80 = tpu.memref_squeeze %dma_start3A_79 : memref<1x50048x32xbf16, #tpu.memory_space<hbm>> -> memref<50048x32xbf16, #tpu.memory_space<hbm>>
        %dma_start3A_81 = arith.constant 0 : i32
        %dma_start3A_82 = tpu.memref_slice %dma_start3A_80[%mul3A_75, %dma_start3A_81] : memref<50048x32xbf16, #tpu.memory_space<hbm>> -> memref<3128x32xbf16, #tpu.memory_space<hbm>>
        %dma_start3A_83 = arith.constant 0 : i32
        %dma_start3A_84 = tpu.memref_slice %arg14[%mul3A_73, %dma_start3A_83] : memref<51200x32xbf16, #tpu.memory_space<vmem_shared>> -> memref<3128x32xbf16, #tpu.memory_space<vmem_shared>>
        tpu.enqueue_dma source(%dma_start3A_84 : memref<3128x32xbf16, #tpu.memory_space<vmem_shared>>) target(%dma_start3A_82 : memref<3128x32xbf16, #tpu.memory_space<hbm>>) target_semaphore(%run_scoped3A : memref<!tpu.dma_semaphore, #tpu.memory_space<semaphore_mem>>)
        %dma_wait3A = arith.constant 0 : i32
        %dma_wait3A_85 = arith.constant 0 : i32
        %dma_wait3A_86 = tpu.memref_slice %arg7[%arg0, %dma_wait3A, %dma_wait3A_85] : memref<2x50048x32xbf16, #tpu.memory_space<hbm>> -> memref<1x50048x32xbf16, #tpu.memory_space<hbm>>
        %dma_wait3A_87 = tpu.memref_squeeze %dma_wait3A_86 : memref<1x50048x32xbf16, #tpu.memory_space<hbm>> -> memref<50048x32xbf16, #tpu.memory_space<hbm>>
        %dma_wait3A_88 = arith.constant 0 : i32
        %dma_wait3A_89 = tpu.memref_slice %dma_wait3A_87[%mul3A_75, %dma_wait3A_88] : memref<50048x32xbf16, #tpu.memory_space<hbm>> -> memref<3128x32xbf16, #tpu.memory_space<hbm>>
        %dma_wait3A_90 = arith.constant 0 : i32
        %dma_wait3A_91 = tpu.memref_slice %arg14[%mul3A_73, %dma_wait3A_90] : memref<51200x32xbf16, #tpu.memory_space<vmem_shared>> -> memref<3128x32xbf16, #tpu.memory_space<vmem_shared>>
        tpu.wait_dma2 semaphore(%run_scoped3A : memref<!tpu.dma_semaphore, #tpu.memory_space<semaphore_mem>>) src(%dma_wait3A_91 : memref<3128x32xbf16, #tpu.memory_space<vmem_shared>>) dst(%dma_wait3A_89 : memref<3128x32xbf16, #tpu.memory_space<hbm>>)
        tpu.yield
      }) : () -> ()
      %barrier3A_76 = arith.constant 0 : index
      tpu.barrier barrier_id(%barrier3A_76)
    } else {
    }
    %scan3A_13 = arith.constant 0 : i32
    %scan3A_14 = arith.constant 25 : i32
    %scan3A_15 = arith.addi %scan3A_13, %scan3A_14 : i32
    %scan3A_16 = arith.constant 1 : i32
    scf.for %scan3A_55 = %scan3A_13 to %scan3A_15 step %scan3A_16  : i32 {
      %mul3A_56 = arith.constant 1 : i32
      %mul3A_57 = arith.muli %scan3A_55, %mul3A_56 : i32
      %add3A_58 = arith.constant 0 : i32
      %add3A_59 = arith.addi %add3A_58, %mul3A_57 : i32
      %mul3A_60 = arith.constant 3200 : i32
      %mul3A_61 = arith.muli %arg1, %mul3A_60 : i32
      %mul3A_62 = arith.constant 128 : i32
      %mul3A_63 = arith.muli %add3A_59, %mul3A_62 : i32
      %add3A_64 = arith.addi %mul3A_61, %mul3A_63 : i32
      "tpu.region"() ({
        %run_scoped3A = tpu.sem_alloc : memref<!tpu.dma_semaphore, #tpu.memory_space<semaphore_mem>>
        %dma_start3A_65 = arith.constant 0 : i32
        %dma_start3A_66 = tpu.memref_slice %arg14[%add3A_64, %dma_start3A_65] : memref<51200x32xbf16, #tpu.memory_space<vmem_shared>> -> memref<128x32xbf16, #tpu.memory_space<vmem_shared>>
        %dma_start3A_67 = arith.constant 0 : i32
        %dma_start3A_68 = tpu.memref_slice %arg14[%add3A_64, %dma_start3A_67] : memref<51200x32xbf16, #tpu.memory_space<vmem_shared>> -> memref<128x32xbf16, #tpu.memory_space<vmem_shared>>
        tpu.enqueue_dma source(%arg12 : memref<128x32xbf16, #tpu.memory_space<vmem>>) target(%dma_start3A_68 : memref<128x32xbf16, #tpu.memory_space<vmem_shared>>) target_semaphore(%run_scoped3A : memref<!tpu.dma_semaphore, #tpu.memory_space<semaphore_mem>>)
        %dma_wait3A = arith.constant 0 : i32
        %dma_wait3A_69 = tpu.memref_slice %arg14[%add3A_64, %dma_wait3A] : memref<51200x32xbf16, #tpu.memory_space<vmem_shared>> -> memref<128x32xbf16, #tpu.memory_space<vmem_shared>>
        %dma_wait3A_70 = arith.constant 0 : i32
        %dma_wait3A_71 = tpu.memref_slice %arg14[%add3A_64, %dma_wait3A_70] : memref<51200x32xbf16, #tpu.memory_space<vmem_shared>> -> memref<128x32xbf16, #tpu.memory_space<vmem_shared>>
        tpu.wait_dma2 semaphore(%run_scoped3A : memref<!tpu.dma_semaphore, #tpu.memory_space<semaphore_mem>>) src(%arg12 : memref<128x32xbf16, #tpu.memory_space<vmem>>) dst(%dma_wait3A_71 : memref<128x32xbf16, #tpu.memory_space<vmem_shared>>)
        tpu.yield
      }) : () -> ()
    }
    %scan3A_17 = arith.constant 25 : i32
    %mul3A = arith.constant 392 : i32
    %mul3A_18 = arith.muli %arg1, %mul3A : i32
    %add3A = arith.constant 0 : i32
    %add3A_19 = arith.addi %mul3A_18, %add3A : i32
    %dma_start3A = arith.constant 0 : i32
    %dma_start3A_20 = arith.constant 0 : i32
    %dma_start3A_21 = arith.constant 0 : i32
    %dma_start3A_22 = tpu.memref_slice %arg8[%dma_start3A, %dma_start3A_20, %dma_start3A_21] : memref<2x28x128xi32, #tpu.memory_space<vmem>> -> memref<1x28x128xi32, #tpu.memory_space<vmem>>
    %dma_start3A_23 = tpu.memref_squeeze %dma_start3A_22 : memref<1x28x128xi32, #tpu.memory_space<vmem>> -> memref<28x128xi32, #tpu.memory_space<vmem>>
    %dma_start3A_24 = arith.constant 0 : i32
    %dma_start3A_25 = tpu.memref_slice %arg4[%add3A_19, %dma_start3A_24] : memref<6272x128xi32, #tpu.memory_space<hbm>> -> memref<28x128xi32, #tpu.memory_space<hbm>>
    %dma_start3A_26 = arith.constant 0 : i32
    %dma_start3A_27 = arith.constant 0 : i32
    %dma_start3A_28 = tpu.memref_slice %arg8[%dma_start3A, %dma_start3A_26, %dma_start3A_27] : memref<2x28x128xi32, #tpu.memory_space<vmem>> -> memref<1x28x128xi32, #tpu.memory_space<vmem>>
    %dma_start3A_29 = tpu.memref_squeeze %dma_start3A_28 : memref<1x28x128xi32, #tpu.memory_space<vmem>> -> memref<28x128xi32, #tpu.memory_space<vmem>>
    %dma_start3A_30 = arith.constant 0 : i32
    %dma_start3A_31 = tpu.memref_slice %arg4[%add3A_19, %dma_start3A_30] : memref<6272x128xi32, #tpu.memory_space<hbm>> -> memref<28x128xi32, #tpu.memory_space<hbm>>
    tpu.enqueue_dma source(%dma_start3A_31 : memref<28x128xi32, #tpu.memory_space<hbm>>) target(%dma_start3A_29 : memref<28x128xi32, #tpu.memory_space<vmem>>) target_semaphore(%arg17 : memref<!tpu.dma_semaphore, #tpu.memory_space<semaphore_mem>>)
    %dma_start3A_32 = arith.constant 0 : i32
    %dma_start3A_33 = arith.constant 0 : i32
    %dma_start3A_34 = arith.constant 0 : i32
    %dma_start3A_35 = tpu.memref_slice %arg9[%dma_start3A_32, %dma_start3A_33, %dma_start3A_34] : memref<2x28x128xi32, #tpu.memory_space<vmem>> -> memref<1x28x128xi32, #tpu.memory_space<vmem>>
    %dma_start3A_36 = tpu.memref_squeeze %dma_start3A_35 : memref<1x28x128xi32, #tpu.memory_space<vmem>> -> memref<28x128xi32, #tpu.memory_space<vmem>>
    %dma_start3A_37 = arith.constant 0 : i32
    %dma_start3A_38 = tpu.memref_slice %arg5[%add3A_19, %dma_start3A_37] : memref<6272x128xi32, #tpu.memory_space<hbm>> -> memref<28x128xi32, #tpu.memory_space<hbm>>
    %dma_start3A_39 = arith.constant 0 : i32
    %dma_start3A_40 = arith.constant 0 : i32
    %dma_start3A_41 = tpu.memref_slice %arg9[%dma_start3A_32, %dma_start3A_39, %dma_start3A_40] : memref<2x28x128xi32, #tpu.memory_space<vmem>> -> memref<1x28x128xi32, #tpu.memory_space<vmem>>
    %dma_start3A_42 = tpu.memref_squeeze %dma_start3A_41 : memref<1x28x128xi32, #tpu.memory_space<vmem>> -> memref<28x128xi32, #tpu.memory_space<vmem>>
    %dma_start3A_43 = arith.constant 0 : i32
    %dma_start3A_44 = tpu.memref_slice %arg5[%add3A_19, %dma_start3A_43] : memref<6272x128xi32, #tpu.memory_space<hbm>> -> memref<28x128xi32, #tpu.memory_space<hbm>>
    tpu.enqueue_dma source(%dma_start3A_44 : memref<28x128xi32, #tpu.memory_space<hbm>>) target(%dma_start3A_42 : memref<28x128xi32, #tpu.memory_space<vmem>>) target_semaphore(%arg17 : memref<!tpu.dma_semaphore, #tpu.memory_space<semaphore_mem>>)
    %barrier3A = arith.constant 0 : index
    tpu.barrier barrier_id(%barrier3A)
    %scan3A_45 = arith.constant 0 : i32
    %scan3A_46 = arith.constant 7 : i32
    %scan3A_47 = arith.addi %scan3A_45, %scan3A_46 : i32
    %scan3A_48 = arith.constant 1 : i32
    scf.for %scan3A_55 = %scan3A_45 to %scan3A_47 step %scan3A_48  : i32 {
      %mul3A_56 = arith.constant 1 : i32
      %mul3A_57 = arith.muli %scan3A_55, %mul3A_56 : i32
      %add3A_58 = arith.constant 0 : i32
      %add3A_59 = arith.addi %add3A_58, %mul3A_57 : i32
      %mul3A_60 = arith.constant 2 : i32
      %mul3A_61 = arith.muli %mul3A_60, %add3A_59 : i32
      %mul3A_62 = arith.constant 392 : i32
      %mul3A_63 = arith.muli %arg1, %mul3A_62 : i32
      %mul3A_64 = arith.constant 28 : i32
      %mul3A_65 = arith.muli %mul3A_61, %mul3A_64 : i32
      %add3A_66 = arith.addi %mul3A_63, %mul3A_65 : i32
      %dma_wait3A = arith.constant 0 : i32
      %dma_wait3A_67 = arith.constant 0 : i32
      %dma_wait3A_68 = arith.constant 0 : i32
      %dma_wait3A_69 = tpu.memref_slice %arg8[%dma_wait3A, %dma_wait3A_67, %dma_wait3A_68] : memref<2x28x128xi32, #tpu.memory_space<vmem>> -> memref<1x28x128xi32, #tpu.memory_space<vmem>>
      %dma_wait3A_70 = tpu.memref_squeeze %dma_wait3A_69 : memref<1x28x128xi32, #tpu.memory_space<vmem>> -> memref<28x128xi32, #tpu.memory_space<vmem>>
      %dma_wait3A_71 = arith.constant 0 : i32
      %dma_wait3A_72 = tpu.memref_slice %arg4[%add3A_66, %dma_wait3A_71] : memref<6272x128xi32, #tpu.memory_space<hbm>> -> memref<28x128xi32, #tpu.memory_space<hbm>>
      %dma_wait3A_73 = arith.constant 0 : i32
      %dma_wait3A_74 = arith.constant 0 : i32
      %dma_wait3A_75 = tpu.memref_slice %arg8[%dma_wait3A, %dma_wait3A_73, %dma_wait3A_74] : memref<2x28x128xi32, #tpu.memory_space<vmem>> -> memref<1x28x128xi32, #tpu.memory_space<vmem>>
      %dma_wait3A_76 = tpu.memref_squeeze %dma_wait3A_75 : memref<1x28x128xi32, #tpu.memory_space<vmem>> -> memref<28x128xi32, #tpu.memory_space<vmem>>
      %dma_wait3A_77 = arith.constant 0 : i32
      %dma_wait3A_78 = tpu.memref_slice %arg4[%add3A_66, %dma_wait3A_77] : memref<6272x128xi32, #tpu.memory_space<hbm>> -> memref<28x128xi32, #tpu.memory_space<hbm>>
      tpu.wait_dma2 semaphore(%arg17 : memref<!tpu.dma_semaphore, #tpu.memory_space<semaphore_mem>>) src(%dma_wait3A_78 : memref<28x128xi32, #tpu.memory_space<hbm>>) dst(%dma_wait3A_76 : memref<28x128xi32, #tpu.memory_space<vmem>>)
      %dma_wait3A_79 = arith.constant 0 : i32
      %dma_wait3A_80 = arith.constant 0 : i32
      %dma_wait3A_81 = arith.constant 0 : i32
      %dma_wait3A_82 = tpu.memref_slice %arg9[%dma_wait3A_79, %dma_wait3A_80, %dma_wait3A_81] : memref<2x28x128xi32, #tpu.memory_space<vmem>> -> memref<1x28x128xi32, #tpu.memory_space<vmem>>
      %dma_wait3A_83 = tpu.memref_squeeze %dma_wait3A_82 : memref<1x28x128xi32, #tpu.memory_space<vmem>> -> memref<28x128xi32, #tpu.memory_space<vmem>>
      %dma_wait3A_84 = arith.constant 0 : i32
      %dma_wait3A_85 = tpu.memref_slice %arg5[%add3A_66, %dma_wait3A_84] : memref<6272x128xi32, #tpu.memory_space<hbm>> -> memref<28x128xi32, #tpu.memory_space<hbm>>
      %dma_wait3A_86 = arith.constant 0 : i32
      %dma_wait3A_87 = arith.constant 0 : i32
      %dma_wait3A_88 = tpu.memref_slice %arg9[%dma_wait3A_79, %dma_wait3A_86, %dma_wait3A_87] : memref<2x28x128xi32, #tpu.memory_space<vmem>> -> memref<1x28x128xi32, #tpu.memory_space<vmem>>
      %dma_wait3A_89 = tpu.memref_squeeze %dma_wait3A_88 : memref<1x28x128xi32, #tpu.memory_space<vmem>> -> memref<28x128xi32, #tpu.memory_space<vmem>>
      %dma_wait3A_90 = arith.constant 0 : i32
      %dma_wait3A_91 = tpu.memref_slice %arg5[%add3A_66, %dma_wait3A_90] : memref<6272x128xi32, #tpu.memory_space<hbm>> -> memref<28x128xi32, #tpu.memory_space<hbm>>
      tpu.wait_dma2 semaphore(%arg17 : memref<!tpu.dma_semaphore, #tpu.memory_space<semaphore_mem>>) src(%dma_wait3A_91 : memref<28x128xi32, #tpu.memory_space<hbm>>) dst(%dma_wait3A_89 : memref<28x128xi32, #tpu.memory_space<vmem>>)
      %add3A_92 = arith.constant 1 : i32
      %add3A_93 = arith.addi %mul3A_61, %add3A_92 : i32
      %mul3A_94 = arith.constant 392 : i32
      %mul3A_95 = arith.muli %arg1, %mul3A_94 : i32
      %mul3A_96 = arith.constant 28 : i32
      %mul3A_97 = arith.muli %add3A_93, %mul3A_96 : i32
      %add3A_98 = arith.addi %mul3A_95, %mul3A_97 : i32
      %dma_start3A_99 = arith.constant 1 : i32
      %dma_start3A_100 = arith.constant 0 : i32
      %dma_start3A_101 = arith.constant 0 : i32
      %dma_start3A_102 = tpu.memref_slice %arg8[%dma_start3A_99, %dma_start3A_100, %dma_start3A_101] : memref<2x28x128xi32, #tpu.memory_space<vmem>> -> memref<1x28x128xi32, #tpu.memory_space<vmem>>
      %dma_start3A_103 = tpu.memref_squeeze %dma_start3A_102 : memref<1x28x128xi32, #tpu.memory_space<vmem>> -> memref<28x128xi32, #tpu.memory_space<vmem>>
      %dma_start3A_104 = arith.constant 0 : i32
      %dma_start3A_105 = tpu.memref_slice %arg4[%add3A_98, %dma_start3A_104] : memref<6272x128xi32, #tpu.memory_space<hbm>> -> memref<28x128xi32, #tpu.memory_space<hbm>>
      %dma_start3A_106 = arith.constant 0 : i32
      %dma_start3A_107 = arith.constant 0 : i32
      %dma_start3A_108 = tpu.memref_slice %arg8[%dma_start3A_99, %dma_start3A_106, %dma_start3A_107] : memref<2x28x128xi32, #tpu.memory_space<vmem>> -> memref<1x28x128xi32, #tpu.memory_space<vmem>>
      %dma_start3A_109 = tpu.memref_squeeze %dma_start3A_108 : memref<1x28x128xi32, #tpu.memory_space<vmem>> -> memref<28x128xi32, #tpu.memory_space<vmem>>
      %dma_start3A_110 = arith.constant 0 : i32
      %dma_start3A_111 = tpu.memref_slice %arg4[%add3A_98, %dma_start3A_110] : memref<6272x128xi32, #tpu.memory_space<hbm>> -> memref<28x128xi32, #tpu.memory_space<hbm>>
      tpu.enqueue_dma source(%dma_start3A_111 : memref<28x128xi32, #tpu.memory_space<hbm>>) target(%dma_start3A_109 : memref<28x128xi32, #tpu.memory_space<vmem>>) target_semaphore(%arg17 : memref<!tpu.dma_semaphore, #tpu.memory_space<semaphore_mem>>)
      %dma_start3A_112 = arith.constant 1 : i32
      %dma_start3A_113 = arith.constant 0 : i32
      %dma_start3A_114 = arith.constant 0 : i32
      %dma_start3A_115 = tpu.memref_slice %arg9[%dma_start3A_112, %dma_start3A_113, %dma_start3A_114] : memref<2x28x128xi32, #tpu.memory_space<vmem>> -> memref<1x28x128xi32, #tpu.memory_space<vmem>>
      %dma_start3A_116 = tpu.memref_squeeze %dma_start3A_115 : memref<1x28x128xi32, #tpu.memory_space<vmem>> -> memref<28x128xi32, #tpu.memory_space<vmem>>
      %dma_start3A_117 = arith.constant 0 : i32
      %dma_start3A_118 = tpu.memref_slice %arg5[%add3A_98, %dma_start3A_117] : memref<6272x128xi32, #tpu.memory_space<hbm>> -> memref<28x128xi32, #tpu.memory_space<hbm>>
      %dma_start3A_119 = arith.constant 0 : i32
      %dma_start3A_120 = arith.constant 0 : i32
      %dma_start3A_121 = tpu.memref_slice %arg9[%dma_start3A_112, %dma_start3A_119, %dma_start3A_120] : memref<2x28x128xi32, #tpu.memory_space<vmem>> -> memref<1x28x128xi32, #tpu.memory_space<vmem>>
      %dma_start3A_122 = tpu.memref_squeeze %dma_start3A_121 : memref<1x28x128xi32, #tpu.memory_space<vmem>> -> memref<28x128xi32, #tpu.memory_space<vmem>>
      %dma_start3A_123 = arith.constant 0 : i32
      %dma_start3A_124 = tpu.memref_slice %arg5[%add3A_98, %dma_start3A_123] : memref<6272x128xi32, #tpu.memory_space<hbm>> -> memref<28x128xi32, #tpu.memory_space<hbm>>
      tpu.enqueue_dma source(%dma_start3A_124 : memref<28x128xi32, #tpu.memory_space<hbm>>) target(%dma_start3A_122 : memref<28x128xi32, #tpu.memory_space<vmem>>) target_semaphore(%arg17 : memref<!tpu.dma_semaphore, #tpu.memory_space<semaphore_mem>>)
      %dma_start3A_125 = arith.constant 0 : i32
      %dma_start3A_126 = arith.constant 0 : i32
      %dma_start3A_127 = arith.constant 0 : i32
      %dma_start3A_128 = arith.constant 0 : i32
      %dma_start3A_129 = tpu.memref_slice %arg8[%dma_start3A_125, %dma_start3A_127, %dma_start3A_128] : memref<2x28x128xi32, #tpu.memory_space<vmem>> -> memref<1x28x128xi32, #tpu.memory_space<vmem>>
      %dma_start3A_130 = tpu.memref_squeeze %dma_start3A_129 : memref<1x28x128xi32, #tpu.memory_space<vmem>> -> memref<28x128xi32, #tpu.memory_space<vmem>>
      %dma_start3A_131 = arith.constant 0 : i32
      %dma_start3A_132 = tpu.memref_slice %dma_start3A_130[%dma_start3A_126, %dma_start3A_131] : memref<28x128xi32, #tpu.memory_space<vmem>> -> memref<1x128xi32, #tpu.memory_space<vmem>>
      %dma_start3A_133 = tpu.memref_squeeze %dma_start3A_132 : memref<1x128xi32, #tpu.memory_space<vmem>> -> memref<128xi32, #tpu.memory_space<vmem>>
      %dma_start3A_134 = arith.constant 0 : i32
      %dma_start3A_135 = arith.constant 0 : i32
      %dma_start3A_136 = tpu.memref_slice %arg3[%arg0, %dma_start3A_134, %dma_start3A_135] : memref<2x50000x32xbf16, #tpu.memory_space<hbm>> -> memref<1x50000x32xbf16, #tpu.memory_space<hbm>>
      %dma_start3A_137 = tpu.memref_squeeze %dma_start3A_136 : memref<1x50000x32xbf16, #tpu.memory_space<hbm>> -> memref<50000x32xbf16, #tpu.memory_space<hbm>>
      %dma_start3A_138 = arith.constant 0 : i32
      %dma_start3A_139 = arith.constant 0 : i32
      %dma_start3A_140 = tpu.memref_slice %dma_start3A_137[%dma_start3A_138, %dma_start3A_139] : memref<50000x32xbf16, #tpu.memory_space<hbm>> -> memref<50000x32xbf16, #tpu.memory_space<hbm>>
      tpu.enqueue_indirect_dma source(%dma_start3A_140 : memref<50000x32xbf16, #tpu.memory_space<hbm>>) target(%arg10 : memref<128x32xbf16, #tpu.memory_space<vmem>>) offsets(%dma_start3A_133 : memref<128xi32, #tpu.memory_space<vmem>>) semaphore(%arg15 : memref<!tpu.dma_semaphore, #tpu.memory_space<semaphore_mem>>)
      %scan3A_141 = arith.constant 0 : i32
      %scan3A_142 = arith.constant 14 : i32
      %scan3A_143 = arith.addi %scan3A_141, %scan3A_142 : i32
      %scan3A_144 = arith.constant 1 : i32
      scf.for %scan3A_204 = %scan3A_141 to %scan3A_143 step %scan3A_144  : i32 {
        %mul3A_205 = arith.constant 1 : i32
        %mul3A_206 = arith.muli %scan3A_204, %mul3A_205 : i32
        %add3A_207 = arith.constant 0 : i32
        %add3A_208 = arith.addi %add3A_207, %mul3A_206 : i32
        %mul3A_209 = arith.constant 2 : i32
        %mul3A_210 = arith.muli %mul3A_209, %add3A_208 : i32
        %add3A_211 = arith.constant 1 : i32
        %add3A_212 = arith.addi %mul3A_210, %add3A_211 : i32
        %dma_start3A_213 = arith.constant 0 : i32
        %dma_start3A_214 = arith.constant 0 : i32
        %dma_start3A_215 = arith.constant 0 : i32
        %dma_start3A_216 = tpu.memref_slice %arg8[%dma_start3A_213, %dma_start3A_214, %dma_start3A_215] : memref<2x28x128xi32, #tpu.memory_space<vmem>> -> memref<1x28x128xi32, #tpu.memory_space<vmem>>
        %dma_start3A_217 = tpu.memref_squeeze %dma_start3A_216 : memref<1x28x128xi32, #tpu.memory_space<vmem>> -> memref<28x128xi32, #tpu.memory_space<vmem>>
        %dma_start3A_218 = arith.constant 0 : i32
        %dma_start3A_219 = tpu.memref_slice %dma_start3A_217[%add3A_212, %dma_start3A_218] : memref<28x128xi32, #tpu.memory_space<vmem>> -> memref<1x128xi32, #tpu.memory_space<vmem>>
        %dma_start3A_220 = tpu.memref_squeeze %dma_start3A_219 : memref<1x128xi32, #tpu.memory_space<vmem>> -> memref<128xi32, #tpu.memory_space<vmem>>
        %dma_start3A_221 = arith.constant 0 : i32
        %dma_start3A_222 = arith.constant 0 : i32
        %dma_start3A_223 = tpu.memref_slice %arg3[%arg0, %dma_start3A_221, %dma_start3A_222] : memref<2x50000x32xbf16, #tpu.memory_space<hbm>> -> memref<1x50000x32xbf16, #tpu.memory_space<hbm>>
        %dma_start3A_224 = tpu.memref_squeeze %dma_start3A_223 : memref<1x50000x32xbf16, #tpu.memory_space<hbm>> -> memref<50000x32xbf16, #tpu.memory_space<hbm>>
        %dma_start3A_225 = arith.constant 0 : i32
        %dma_start3A_226 = arith.constant 0 : i32
        %dma_start3A_227 = tpu.memref_slice %dma_start3A_224[%dma_start3A_225, %dma_start3A_226] : memref<50000x32xbf16, #tpu.memory_space<hbm>> -> memref<50000x32xbf16, #tpu.memory_space<hbm>>
        tpu.enqueue_indirect_dma source(%dma_start3A_227 : memref<50000x32xbf16, #tpu.memory_space<hbm>>) target(%arg11 : memref<128x32xbf16, #tpu.memory_space<vmem>>) offsets(%dma_start3A_220 : memref<128xi32, #tpu.memory_space<vmem>>) semaphore(%arg16 : memref<!tpu.dma_semaphore, #tpu.memory_space<semaphore_mem>>)
        %dma_wait3A_228 = arith.constant 0 : i32
        %dma_wait3A_229 = arith.constant 0 : i32
        %dma_wait3A_230 = arith.constant 0 : i32
        %dma_wait3A_231 = tpu.memref_slice %arg8[%dma_wait3A_228, %dma_wait3A_229, %dma_wait3A_230] : memref<2x28x128xi32, #tpu.memory_space<vmem>> -> memref<1x28x128xi32, #tpu.memory_space<vmem>>
        %dma_wait3A_232 = tpu.memref_squeeze %dma_wait3A_231 : memref<1x28x128xi32, #tpu.memory_space<vmem>> -> memref<28x128xi32, #tpu.memory_space<vmem>>
        %dma_wait3A_233 = arith.constant 0 : i32
        %dma_wait3A_234 = tpu.memref_slice %dma_wait3A_232[%mul3A_210, %dma_wait3A_233] : memref<28x128xi32, #tpu.memory_space<vmem>> -> memref<1x128xi32, #tpu.memory_space<vmem>>
        %dma_wait3A_235 = tpu.memref_squeeze %dma_wait3A_234 : memref<1x128xi32, #tpu.memory_space<vmem>> -> memref<128xi32, #tpu.memory_space<vmem>>
        %dma_wait3A_236 = arith.constant 0 : i32
        %dma_wait3A_237 = arith.constant 0 : i32
        %dma_wait3A_238 = tpu.memref_slice %arg3[%arg0, %dma_wait3A_236, %dma_wait3A_237] : memref<2x50000x32xbf16, #tpu.memory_space<hbm>> -> memref<1x50000x32xbf16, #tpu.memory_space<hbm>>
        %dma_wait3A_239 = tpu.memref_squeeze %dma_wait3A_238 : memref<1x50000x32xbf16, #tpu.memory_space<hbm>> -> memref<50000x32xbf16, #tpu.memory_space<hbm>>
        %dma_wait3A_240 = arith.constant 0 : i32
        %dma_wait3A_241 = arith.constant 0 : i32
        %dma_wait3A_242 = tpu.memref_slice %dma_wait3A_239[%dma_wait3A_240, %dma_wait3A_241] : memref<50000x32xbf16, #tpu.memory_space<hbm>> -> memref<50000x32xbf16, #tpu.memory_space<hbm>>
        tpu.wait_indirect_dma semaphore(%arg15 : memref<!tpu.dma_semaphore, #tpu.memory_space<semaphore_mem>>) src(%dma_wait3A_242 : memref<50000x32xbf16, #tpu.memory_space<hbm>>) dst(%arg10 : memref<128x32xbf16, #tpu.memory_space<vmem>>)
        %run_scoped3A = arith.constant 0 : i32
        "tpu.region"() ({
          %run_scoped3A_266 = tpu.sem_alloc : memref<!tpu.dma_semaphore, #tpu.memory_space<semaphore_mem>>
          %dma_start3A_267 = arith.constant 0 : i32
          %dma_start3A_268 = arith.constant 0 : i32
          %dma_start3A_269 = tpu.memref_slice %arg9[%run_scoped3A, %dma_start3A_267, %dma_start3A_268] : memref<2x28x128xi32, #tpu.memory_space<vmem>> -> memref<1x28x128xi32, #tpu.memory_space<vmem>>
          %dma_start3A_270 = tpu.memref_squeeze %dma_start3A_269 : memref<1x28x128xi32, #tpu.memory_space<vmem>> -> memref<28x128xi32, #tpu.memory_space<vmem>>
          %dma_start3A_271 = arith.constant 0 : i32
          %dma_start3A_272 = tpu.memref_slice %dma_start3A_270[%mul3A_210, %dma_start3A_271] : memref<28x128xi32, #tpu.memory_space<vmem>> -> memref<1x128xi32, #tpu.memory_space<vmem>>
          %dma_start3A_273 = tpu.memref_squeeze %dma_start3A_272 : memref<1x128xi32, #tpu.memory_space<vmem>> -> memref<128xi32, #tpu.memory_space<vmem>>
          %dma_start3A_274 = arith.constant 0 : i32
          %dma_start3A_275 = arith.constant 0 : i32
          %dma_start3A_276 = tpu.memref_slice %arg14[%dma_start3A_274, %dma_start3A_275] : memref<51200x32xbf16, #tpu.memory_space<vmem_shared>> -> memref<51200x32xbf16, #tpu.memory_space<vmem_shared>>
          tpu.enqueue_indirect_dma source(%arg10 : memref<128x32xbf16, #tpu.memory_space<vmem>>) target(%dma_start3A_276 : memref<51200x32xbf16, #tpu.memory_space<vmem_shared>>) offsets(%dma_start3A_273 : memref<128xi32, #tpu.memory_space<vmem>>) semaphore(%run_scoped3A_266 : memref<!tpu.dma_semaphore, #tpu.memory_space<semaphore_mem>>) {add = true}
          %dma_wait3A_277 = arith.constant 0 : i32
          %dma_wait3A_278 = arith.constant 0 : i32
          %dma_wait3A_279 = tpu.memref_slice %arg9[%run_scoped3A, %dma_wait3A_277, %dma_wait3A_278] : memref<2x28x128xi32, #tpu.memory_space<vmem>> -> memref<1x28x128xi32, #tpu.memory_space<vmem>>
          %dma_wait3A_280 = tpu.memref_squeeze %dma_wait3A_279 : memref<1x28x128xi32, #tpu.memory_space<vmem>> -> memref<28x128xi32, #tpu.memory_space<vmem>>
          %dma_wait3A_281 = arith.constant 0 : i32
          %dma_wait3A_282 = tpu.memref_slice %dma_wait3A_280[%mul3A_210, %dma_wait3A_281] : memref<28x128xi32, #tpu.memory_space<vmem>> -> memref<1x128xi32, #tpu.memory_space<vmem>>
          %dma_wait3A_283 = tpu.memref_squeeze %dma_wait3A_282 : memref<1x128xi32, #tpu.memory_space<vmem>> -> memref<128xi32, #tpu.memory_space<vmem>>
          %dma_wait3A_284 = arith.constant 0 : i32
          %dma_wait3A_285 = arith.constant 0 : i32
          %dma_wait3A_286 = tpu.memref_slice %arg14[%dma_wait3A_284, %dma_wait3A_285] : memref<51200x32xbf16, #tpu.memory_space<vmem_shared>> -> memref<51200x32xbf16, #tpu.memory_space<vmem_shared>>
          tpu.wait_indirect_dma semaphore(%run_scoped3A_266 : memref<!tpu.dma_semaphore, #tpu.memory_space<semaphore_mem>>) src(%arg10 : memref<128x32xbf16, #tpu.memory_space<vmem>>) dst(%dma_wait3A_286 : memref<51200x32xbf16, #tpu.memory_space<vmem_shared>>)
          tpu.yield
        }) : () -> ()
        %lt3A_243 = arith.constant 13 : i32
        %lt3A_244 = arith.cmpi slt, %add3A_208, %lt3A_243 : i32
        %convert_element_type3A_245 = arith.extui %lt3A_244 : i1 to i32
        %cond3A_246 = arith.constant 0 : i32
        %cond3A_247 = arith.cmpi ne, %convert_element_type3A_245, %cond3A_246 : i32
        scf.if %cond3A_247 {
          %add3A_266 = arith.constant 2 : i32
          %add3A_267 = arith.addi %mul3A_210, %add3A_266 : i32
          %dma_start3A_268 = arith.constant 0 : i32
          %dma_start3A_269 = arith.constant 0 : i32
          %dma_start3A_270 = arith.constant 0 : i32
          %dma_start3A_271 = tpu.memref_slice %arg8[%dma_start3A_268, %dma_start3A_269, %dma_start3A_270] : memref<2x28x128xi32, #tpu.memory_space<vmem>> -> memref<1x28x128xi32, #tpu.memory_space<vmem>>
          %dma_start3A_272 = tpu.memref_squeeze %dma_start3A_271 : memref<1x28x128xi32, #tpu.memory_space<vmem>> -> memref<28x128xi32, #tpu.memory_space<vmem>>
          %dma_start3A_273 = arith.constant 0 : i32
          %dma_start3A_274 = tpu.memref_slice %dma_start3A_272[%add3A_267, %dma_start3A_273] : memref<28x128xi32, #tpu.memory_space<vmem>> -> memref<1x128xi32, #tpu.memory_space<vmem>>
          %dma_start3A_275 = tpu.memref_squeeze %dma_start3A_274 : memref<1x128xi32, #tpu.memory_space<vmem>> -> memref<128xi32, #tpu.memory_space<vmem>>
          %dma_start3A_276 = arith.constant 0 : i32
          %dma_start3A_277 = arith.constant 0 : i32
          %dma_start3A_278 = tpu.memref_slice %arg3[%arg0, %dma_start3A_276, %dma_start3A_277] : memref<2x50000x32xbf16, #tpu.memory_space<hbm>> -> memref<1x50000x32xbf16, #tpu.memory_space<hbm>>
          %dma_start3A_279 = tpu.memref_squeeze %dma_start3A_278 : memref<1x50000x32xbf16, #tpu.memory_space<hbm>> -> memref<50000x32xbf16, #tpu.memory_space<hbm>>
          %dma_start3A_280 = arith.constant 0 : i32
          %dma_start3A_281 = arith.constant 0 : i32
          %dma_start3A_282 = tpu.memref_slice %dma_start3A_279[%dma_start3A_280, %dma_start3A_281] : memref<50000x32xbf16, #tpu.memory_space<hbm>> -> memref<50000x32xbf16, #tpu.memory_space<hbm>>
          tpu.enqueue_indirect_dma source(%dma_start3A_282 : memref<50000x32xbf16, #tpu.memory_space<hbm>>) target(%arg10 : memref<128x32xbf16, #tpu.memory_space<vmem>>) offsets(%dma_start3A_275 : memref<128xi32, #tpu.memory_space<vmem>>) semaphore(%arg15 : memref<!tpu.dma_semaphore, #tpu.memory_space<semaphore_mem>>)
        } else {
        }
        %add3A_248 = arith.constant 1 : i32
        %add3A_249 = arith.addi %mul3A_210, %add3A_248 : i32
        %dma_wait3A_250 = arith.constant 0 : i32
        %dma_wait3A_251 = arith.constant 0 : i32
        %dma_wait3A_252 = arith.constant 0 : i32
        %dma_wait3A_253 = tpu.memref_slice %arg8[%dma_wait3A_250, %dma_wait3A_251, %dma_wait3A_252] : memref<2x28x128xi32, #tpu.memory_space<vmem>> -> memref<1x28x128xi32, #tpu.memory_space<vmem>>
        %dma_wait3A_254 = tpu.memref_squeeze %dma_wait3A_253 : memref<1x28x128xi32, #tpu.memory_space<vmem>> -> memref<28x128xi32, #tpu.memory_space<vmem>>
        %dma_wait3A_255 = arith.constant 0 : i32
        %dma_wait3A_256 = tpu.memref_slice %dma_wait3A_254[%add3A_249, %dma_wait3A_255] : memref<28x128xi32, #tpu.memory_space<vmem>> -> memref<1x128xi32, #tpu.memory_space<vmem>>
        %dma_wait3A_257 = tpu.memref_squeeze %dma_wait3A_256 : memref<1x128xi32, #tpu.memory_space<vmem>> -> memref<128xi32, #tpu.memory_space<vmem>>
        %dma_wait3A_258 = arith.constant 0 : i32
        %dma_wait3A_259 = arith.constant 0 : i32
        %dma_wait3A_260 = tpu.memref_slice %arg3[%arg0, %dma_wait3A_258, %dma_wait3A_259] : memref<2x50000x32xbf16, #tpu.memory_space<hbm>> -> memref<1x50000x32xbf16, #tpu.memory_space<hbm>>
        %dma_wait3A_261 = tpu.memref_squeeze %dma_wait3A_260 : memref<1x50000x32xbf16, #tpu.memory_space<hbm>> -> memref<50000x32xbf16, #tpu.memory_space<hbm>>
        %dma_wait3A_262 = arith.constant 0 : i32
        %dma_wait3A_263 = arith.constant 0 : i32
        %dma_wait3A_264 = tpu.memref_slice %dma_wait3A_261[%dma_wait3A_262, %dma_wait3A_263] : memref<50000x32xbf16, #tpu.memory_space<hbm>> -> memref<50000x32xbf16, #tpu.memory_space<hbm>>
        tpu.wait_indirect_dma semaphore(%arg16 : memref<!tpu.dma_semaphore, #tpu.memory_space<semaphore_mem>>) src(%dma_wait3A_264 : memref<50000x32xbf16, #tpu.memory_space<hbm>>) dst(%arg11 : memref<128x32xbf16, #tpu.memory_space<vmem>>)
        %run_scoped3A_265 = arith.constant 0 : i32
        "tpu.region"() ({
          %run_scoped3A_266 = tpu.sem_alloc : memref<!tpu.dma_semaphore, #tpu.memory_space<semaphore_mem>>
          %dma_start3A_267 = arith.constant 0 : i32
          %dma_start3A_268 = arith.constant 0 : i32
          %dma_start3A_269 = tpu.memref_slice %arg9[%run_scoped3A_265, %dma_start3A_267, %dma_start3A_268] : memref<2x28x128xi32, #tpu.memory_space<vmem>> -> memref<1x28x128xi32, #tpu.memory_space<vmem>>
          %dma_start3A_270 = tpu.memref_squeeze %dma_start3A_269 : memref<1x28x128xi32, #tpu.memory_space<vmem>> -> memref<28x128xi32, #tpu.memory_space<vmem>>
          %dma_start3A_271 = arith.constant 0 : i32
          %dma_start3A_272 = tpu.memref_slice %dma_start3A_270[%add3A_249, %dma_start3A_271] : memref<28x128xi32, #tpu.memory_space<vmem>> -> memref<1x128xi32, #tpu.memory_space<vmem>>
          %dma_start3A_273 = tpu.memref_squeeze %dma_start3A_272 : memref<1x128xi32, #tpu.memory_space<vmem>> -> memref<128xi32, #tpu.memory_space<vmem>>
          %dma_start3A_274 = arith.constant 0 : i32
          %dma_start3A_275 = arith.constant 0 : i32
          %dma_start3A_276 = tpu.memref_slice %arg14[%dma_start3A_274, %dma_start3A_275] : memref<51200x32xbf16, #tpu.memory_space<vmem_shared>> -> memref<51200x32xbf16, #tpu.memory_space<vmem_shared>>
          tpu.enqueue_indirect_dma source(%arg11 : memref<128x32xbf16, #tpu.memory_space<vmem>>) target(%dma_start3A_276 : memref<51200x32xbf16, #tpu.memory_space<vmem_shared>>) offsets(%dma_start3A_273 : memref<128xi32, #tpu.memory_space<vmem>>) semaphore(%run_scoped3A_266 : memref<!tpu.dma_semaphore, #tpu.memory_space<semaphore_mem>>) {add = true}
          %dma_wait3A_277 = arith.constant 0 : i32
          %dma_wait3A_278 = arith.constant 0 : i32
          %dma_wait3A_279 = tpu.memref_slice %arg9[%run_scoped3A_265, %dma_wait3A_277, %dma_wait3A_278] : memref<2x28x128xi32, #tpu.memory_space<vmem>> -> memref<1x28x128xi32, #tpu.memory_space<vmem>>
          %dma_wait3A_280 = tpu.memref_squeeze %dma_wait3A_279 : memref<1x28x128xi32, #tpu.memory_space<vmem>> -> memref<28x128xi32, #tpu.memory_space<vmem>>
          %dma_wait3A_281 = arith.constant 0 : i32
          %dma_wait3A_282 = tpu.memref_slice %dma_wait3A_280[%add3A_249, %dma_wait3A_281] : memref<28x128xi32, #tpu.memory_space<vmem>> -> memref<1x128xi32, #tpu.memory_space<vmem>>
          %dma_wait3A_283 = tpu.memref_squeeze %dma_wait3A_282 : memref<1x128xi32, #tpu.memory_space<vmem>> -> memref<128xi32, #tpu.memory_space<vmem>>
          %dma_wait3A_284 = arith.constant 0 : i32
          %dma_wait3A_285 = arith.constant 0 : i32
          %dma_wait3A_286 = tpu.memref_slice %arg14[%dma_wait3A_284, %dma_wait3A_285] : memref<51200x32xbf16, #tpu.memory_space<vmem_shared>> -> memref<51200x32xbf16, #tpu.memory_space<vmem_shared>>
          tpu.wait_indirect_dma semaphore(%run_scoped3A_266 : memref<!tpu.dma_semaphore, #tpu.memory_space<semaphore_mem>>) src(%arg11 : memref<128x32xbf16, #tpu.memory_space<vmem>>) dst(%dma_wait3A_286 : memref<51200x32xbf16, #tpu.memory_space<vmem_shared>>)
          tpu.yield
        }) : () -> ()
      }
      %scan3A_145 = arith.constant 14 : i32
      %add3A_146 = arith.constant 1 : i32
      %add3A_147 = arith.addi %mul3A_61, %add3A_146 : i32
      %mul3A_148 = arith.constant 392 : i32
      %mul3A_149 = arith.muli %arg1, %mul3A_148 : i32
      %mul3A_150 = arith.constant 28 : i32
      %mul3A_151 = arith.muli %add3A_147, %mul3A_150 : i32
      %add3A_152 = arith.addi %mul3A_149, %mul3A_151 : i32
      %dma_wait3A_153 = arith.constant 1 : i32
      %dma_wait3A_154 = arith.constant 0 : i32
      %dma_wait3A_155 = arith.constant 0 : i32
      %dma_wait3A_156 = tpu.memref_slice %arg8[%dma_wait3A_153, %dma_wait3A_154, %dma_wait3A_155] : memref<2x28x128xi32, #tpu.memory_space<vmem>> -> memref<1x28x128xi32, #tpu.memory_space<vmem>>
      %dma_wait3A_157 = tpu.memref_squeeze %dma_wait3A_156 : memref<1x28x128xi32, #tpu.memory_space<vmem>> -> memref<28x128xi32, #tpu.memory_space<vmem>>
      %dma_wait3A_158 = arith.constant 0 : i32
      %dma_wait3A_159 = tpu.memref_slice %arg4[%add3A_152, %dma_wait3A_158] : memref<6272x128xi32, #tpu.memory_space<hbm>> -> memref<28x128xi32, #tpu.memory_space<hbm>>
      %dma_wait3A_160 = arith.constant 0 : i32
      %dma_wait3A_161 = arith.constant 0 : i32
      %dma_wait3A_162 = tpu.memref_slice %arg8[%dma_wait3A_153, %dma_wait3A_160, %dma_wait3A_161] : memref<2x28x128xi32, #tpu.memory_space<vmem>> -> memref<1x28x128xi32, #tpu.memory_space<vmem>>
      %dma_wait3A_163 = tpu.memref_squeeze %dma_wait3A_162 : memref<1x28x128xi32, #tpu.memory_space<vmem>> -> memref<28x128xi32, #tpu.memory_space<vmem>>
      %dma_wait3A_164 = arith.constant 0 : i32
      %dma_wait3A_165 = tpu.memref_slice %arg4[%add3A_152, %dma_wait3A_164] : memref<6272x128xi32, #tpu.memory_space<hbm>> -> memref<28x128xi32, #tpu.memory_space<hbm>>
      tpu.wait_dma2 semaphore(%arg17 : memref<!tpu.dma_semaphore, #tpu.memory_space<semaphore_mem>>) src(%dma_wait3A_165 : memref<28x128xi32, #tpu.memory_space<hbm>>) dst(%dma_wait3A_163 : memref<28x128xi32, #tpu.memory_space<vmem>>)
      %dma_wait3A_166 = arith.constant 1 : i32
      %dma_wait3A_167 = arith.constant 0 : i32
      %dma_wait3A_168 = arith.constant 0 : i32
      %dma_wait3A_169 = tpu.memref_slice %arg9[%dma_wait3A_166, %dma_wait3A_167, %dma_wait3A_168] : memref<2x28x128xi32, #tpu.memory_space<vmem>> -> memref<1x28x128xi32, #tpu.memory_space<vmem>>
      %dma_wait3A_170 = tpu.memref_squeeze %dma_wait3A_169 : memref<1x28x128xi32, #tpu.memory_space<vmem>> -> memref<28x128xi32, #tpu.memory_space<vmem>>
      %dma_wait3A_171 = arith.constant 0 : i32
      %dma_wait3A_172 = tpu.memref_slice %arg5[%add3A_152, %dma_wait3A_171] : memref<6272x128xi32, #tpu.memory_space<hbm>> -> memref<28x128xi32, #tpu.memory_space<hbm>>
      %dma_wait3A_173 = arith.constant 0 : i32
      %dma_wait3A_174 = arith.constant 0 : i32
      %dma_wait3A_175 = tpu.memref_slice %arg9[%dma_wait3A_166, %dma_wait3A_173, %dma_wait3A_174] : memref<2x28x128xi32, #tpu.memory_space<vmem>> -> memref<1x28x128xi32, #tpu.memory_space<vmem>>
      %dma_wait3A_176 = tpu.memref_squeeze %dma_wait3A_175 : memref<1x28x128xi32, #tpu.memory_space<vmem>> -> memref<28x128xi32, #tpu.memory_space<vmem>>
      %dma_wait3A_177 = arith.constant 0 : i32
      %dma_wait3A_178 = tpu.memref_slice %arg5[%add3A_152, %dma_wait3A_177] : memref<6272x128xi32, #tpu.memory_space<hbm>> -> memref<28x128xi32, #tpu.memory_space<hbm>>
      tpu.wait_dma2 semaphore(%arg17 : memref<!tpu.dma_semaphore, #tpu.memory_space<semaphore_mem>>) src(%dma_wait3A_178 : memref<28x128xi32, #tpu.memory_space<hbm>>) dst(%dma_wait3A_176 : memref<28x128xi32, #tpu.memory_space<vmem>>)
      %lt3A = arith.constant 6 : i32
      %lt3A_179 = arith.cmpi slt, %add3A_59, %lt3A : i32
      %convert_element_type3A_180 = arith.extui %lt3A_179 : i1 to i32
      %cond3A_181 = arith.constant 0 : i32
      %cond3A_182 = arith.cmpi ne, %convert_element_type3A_180, %cond3A_181 : i32
      scf.if %cond3A_182 {
        %add3A_204 = arith.constant 2 : i32
        %add3A_205 = arith.addi %mul3A_61, %add3A_204 : i32
        %mul3A_206 = arith.constant 392 : i32
        %mul3A_207 = arith.muli %arg1, %mul3A_206 : i32
        %mul3A_208 = arith.constant 28 : i32
        %mul3A_209 = arith.muli %add3A_205, %mul3A_208 : i32
        %add3A_210 = arith.addi %mul3A_207, %mul3A_209 : i32
        %dma_start3A_211 = arith.constant 0 : i32
        %dma_start3A_212 = arith.constant 0 : i32
        %dma_start3A_213 = arith.constant 0 : i32
        %dma_start3A_214 = tpu.memref_slice %arg8[%dma_start3A_211, %dma_start3A_212, %dma_start3A_213] : memref<2x28x128xi32, #tpu.memory_space<vmem>> -> memref<1x28x128xi32, #tpu.memory_space<vmem>>
        %dma_start3A_215 = tpu.memref_squeeze %dma_start3A_214 : memref<1x28x128xi32, #tpu.memory_space<vmem>> -> memref<28x128xi32, #tpu.memory_space<vmem>>
        %dma_start3A_216 = arith.constant 0 : i32
        %dma_start3A_217 = tpu.memref_slice %arg4[%add3A_210, %dma_start3A_216] : memref<6272x128xi32, #tpu.memory_space<hbm>> -> memref<28x128xi32, #tpu.memory_space<hbm>>
        %dma_start3A_218 = arith.constant 0 : i32
        %dma_start3A_219 = arith.constant 0 : i32
        %dma_start3A_220 = tpu.memref_slice %arg8[%dma_start3A_211, %dma_start3A_218, %dma_start3A_219] : memref<2x28x128xi32, #tpu.memory_space<vmem>> -> memref<1x28x128xi32, #tpu.memory_space<vmem>>
        %dma_start3A_221 = tpu.memref_squeeze %dma_start3A_220 : memref<1x28x128xi32, #tpu.memory_space<vmem>> -> memref<28x128xi32, #tpu.memory_space<vmem>>
        %dma_start3A_222 = arith.constant 0 : i32
        %dma_start3A_223 = tpu.memref_slice %arg4[%add3A_210, %dma_start3A_222] : memref<6272x128xi32, #tpu.memory_space<hbm>> -> memref<28x128xi32, #tpu.memory_space<hbm>>
        tpu.enqueue_dma source(%dma_start3A_223 : memref<28x128xi32, #tpu.memory_space<hbm>>) target(%dma_start3A_221 : memref<28x128xi32, #tpu.memory_space<vmem>>) target_semaphore(%arg17 : memref<!tpu.dma_semaphore, #tpu.memory_space<semaphore_mem>>)
        %dma_start3A_224 = arith.constant 0 : i32
        %dma_start3A_225 = arith.constant 0 : i32
        %dma_start3A_226 = arith.constant 0 : i32
        %dma_start3A_227 = tpu.memref_slice %arg9[%dma_start3A_224, %dma_start3A_225, %dma_start3A_226] : memref<2x28x128xi32, #tpu.memory_space<vmem>> -> memref<1x28x128xi32, #tpu.memory_space<vmem>>
        %dma_start3A_228 = tpu.memref_squeeze %dma_start3A_227 : memref<1x28x128xi32, #tpu.memory_space<vmem>> -> memref<28x128xi32, #tpu.memory_space<vmem>>
        %dma_start3A_229 = arith.constant 0 : i32
        %dma_start3A_230 = tpu.memref_slice %arg5[%add3A_210, %dma_start3A_229] : memref<6272x128xi32, #tpu.memory_space<hbm>> -> memref<28x128xi32, #tpu.memory_space<hbm>>
        %dma_start3A_231 = arith.constant 0 : i32
        %dma_start3A_232 = arith.constant 0 : i32
        %dma_start3A_233 = tpu.memref_slice %arg9[%dma_start3A_224, %dma_start3A_231, %dma_start3A_232] : memref<2x28x128xi32, #tpu.memory_space<vmem>> -> memref<1x28x128xi32, #tpu.memory_space<vmem>>
        %dma_start3A_234 = tpu.memref_squeeze %dma_start3A_233 : memref<1x28x128xi32, #tpu.memory_space<vmem>> -> memref<28x128xi32, #tpu.memory_space<vmem>>
        %dma_start3A_235 = arith.constant 0 : i32
        %dma_start3A_236 = tpu.memref_slice %arg5[%add3A_210, %dma_start3A_235] : memref<6272x128xi32, #tpu.memory_space<hbm>> -> memref<28x128xi32, #tpu.memory_space<hbm>>
        tpu.enqueue_dma source(%dma_start3A_236 : memref<28x128xi32, #tpu.memory_space<hbm>>) target(%dma_start3A_234 : memref<28x128xi32, #tpu.memory_space<vmem>>) target_semaphore(%arg17 : memref<!tpu.dma_semaphore, #tpu.memory_space<semaphore_mem>>)
      } else {
      }
      %dma_start3A_183 = arith.constant 1 : i32
      %dma_start3A_184 = arith.constant 0 : i32
      %dma_start3A_185 = arith.constant 0 : i32
      %dma_start3A_186 = arith.constant 0 : i32
      %dma_start3A_187 = tpu.memref_slice %arg8[%dma_start3A_183, %dma_start3A_185, %dma_start3A_186] : memref<2x28x128xi32, #tpu.memory_space<vmem>> -> memref<1x28x128xi32, #tpu.memory_space<vmem>>
      %dma_start3A_188 = tpu.memref_squeeze %dma_start3A_187 : memref<1x28x128xi32, #tpu.memory_space<vmem>> -> memref<28x128xi32, #tpu.memory_space<vmem>>
      %dma_start3A_189 = arith.constant 0 : i32
      %dma_start3A_190 = tpu.memref_slice %dma_start3A_188[%dma_start3A_184, %dma_start3A_189] : memref<28x128xi32, #tpu.memory_space<vmem>> -> memref<1x128xi32, #tpu.memory_space<vmem>>
      %dma_start3A_191 = tpu.memref_squeeze %dma_start3A_190 : memref<1x128xi32, #tpu.memory_space<vmem>> -> memref<128xi32, #tpu.memory_space<vmem>>
      %dma_start3A_192 = arith.constant 0 : i32
      %dma_start3A_193 = arith.constant 0 : i32
      %dma_start3A_194 = tpu.memref_slice %arg3[%arg0, %dma_start3A_192, %dma_start3A_193] : memref<2x50000x32xbf16, #tpu.memory_space<hbm>> -> memref<1x50000x32xbf16, #tpu.memory_space<hbm>>
      %dma_start3A_195 = tpu.memref_squeeze %dma_start3A_194 : memref<1x50000x32xbf16, #tpu.memory_space<hbm>> -> memref<50000x32xbf16, #tpu.memory_space<hbm>>
      %dma_start3A_196 = arith.constant 0 : i32
      %dma_start3A_197 = arith.constant 0 : i32
      %dma_start3A_198 = tpu.memref_slice %dma_start3A_195[%dma_start3A_196, %dma_start3A_197] : memref<50000x32xbf16, #tpu.memory_space<hbm>> -> memref<50000x32xbf16, #tpu.memory_space<hbm>>
      tpu.enqueue_indirect_dma source(%dma_start3A_198 : memref<50000x32xbf16, #tpu.memory_space<hbm>>) target(%arg10 : memref<128x32xbf16, #tpu.memory_space<vmem>>) offsets(%dma_start3A_191 : memref<128xi32, #tpu.memory_space<vmem>>) semaphore(%arg15 : memref<!tpu.dma_semaphore, #tpu.memory_space<semaphore_mem>>)
      %scan3A_199 = arith.constant 0 : i32
      %scan3A_200 = arith.constant 14 : i32
      %scan3A_201 = arith.addi %scan3A_199, %scan3A_200 : i32
      %scan3A_202 = arith.constant 1 : i32
      scf.for %scan3A_204 = %scan3A_199 to %scan3A_201 step %scan3A_202  : i32 {
        %mul3A_205 = arith.constant 1 : i32
        %mul3A_206 = arith.muli %scan3A_204, %mul3A_205 : i32
        %add3A_207 = arith.constant 0 : i32
        %add3A_208 = arith.addi %add3A_207, %mul3A_206 : i32
        %mul3A_209 = arith.constant 2 : i32
        %mul3A_210 = arith.muli %mul3A_209, %add3A_208 : i32
        %add3A_211 = arith.constant 1 : i32
        %add3A_212 = arith.addi %mul3A_210, %add3A_211 : i32
        %dma_start3A_213 = arith.constant 1 : i32
        %dma_start3A_214 = arith.constant 0 : i32
        %dma_start3A_215 = arith.constant 0 : i32
        %dma_start3A_216 = tpu.memref_slice %arg8[%dma_start3A_213, %dma_start3A_214, %dma_start3A_215] : memref<2x28x128xi32, #tpu.memory_space<vmem>> -> memref<1x28x128xi32, #tpu.memory_space<vmem>>
        %dma_start3A_217 = tpu.memref_squeeze %dma_start3A_216 : memref<1x28x128xi32, #tpu.memory_space<vmem>> -> memref<28x128xi32, #tpu.memory_space<vmem>>
        %dma_start3A_218 = arith.constant 0 : i32
        %dma_start3A_219 = tpu.memref_slice %dma_start3A_217[%add3A_212, %dma_start3A_218] : memref<28x128xi32, #tpu.memory_space<vmem>> -> memref<1x128xi32, #tpu.memory_space<vmem>>
        %dma_start3A_220 = tpu.memref_squeeze %dma_start3A_219 : memref<1x128xi32, #tpu.memory_space<vmem>> -> memref<128xi32, #tpu.memory_space<vmem>>
        %dma_start3A_221 = arith.constant 0 : i32
        %dma_start3A_222 = arith.constant 0 : i32
        %dma_start3A_223 = tpu.memref_slice %arg3[%arg0, %dma_start3A_221, %dma_start3A_222] : memref<2x50000x32xbf16, #tpu.memory_space<hbm>> -> memref<1x50000x32xbf16, #tpu.memory_space<hbm>>
        %dma_start3A_224 = tpu.memref_squeeze %dma_start3A_223 : memref<1x50000x32xbf16, #tpu.memory_space<hbm>> -> memref<50000x32xbf16, #tpu.memory_space<hbm>>
        %dma_start3A_225 = arith.constant 0 : i32
        %dma_start3A_226 = arith.constant 0 : i32
        %dma_start3A_227 = tpu.memref_slice %dma_start3A_224[%dma_start3A_225, %dma_start3A_226] : memref<50000x32xbf16, #tpu.memory_space<hbm>> -> memref<50000x32xbf16, #tpu.memory_space<hbm>>
        tpu.enqueue_indirect_dma source(%dma_start3A_227 : memref<50000x32xbf16, #tpu.memory_space<hbm>>) target(%arg11 : memref<128x32xbf16, #tpu.memory_space<vmem>>) offsets(%dma_start3A_220 : memref<128xi32, #tpu.memory_space<vmem>>) semaphore(%arg16 : memref<!tpu.dma_semaphore, #tpu.memory_space<semaphore_mem>>)
        %dma_wait3A_228 = arith.constant 1 : i32
        %dma_wait3A_229 = arith.constant 0 : i32
        %dma_wait3A_230 = arith.constant 0 : i32
        %dma_wait3A_231 = tpu.memref_slice %arg8[%dma_wait3A_228, %dma_wait3A_229, %dma_wait3A_230] : memref<2x28x128xi32, #tpu.memory_space<vmem>> -> memref<1x28x128xi32, #tpu.memory_space<vmem>>
        %dma_wait3A_232 = tpu.memref_squeeze %dma_wait3A_231 : memref<1x28x128xi32, #tpu.memory_space<vmem>> -> memref<28x128xi32, #tpu.memory_space<vmem>>
        %dma_wait3A_233 = arith.constant 0 : i32
        %dma_wait3A_234 = tpu.memref_slice %dma_wait3A_232[%mul3A_210, %dma_wait3A_233] : memref<28x128xi32, #tpu.memory_space<vmem>> -> memref<1x128xi32, #tpu.memory_space<vmem>>
        %dma_wait3A_235 = tpu.memref_squeeze %dma_wait3A_234 : memref<1x128xi32, #tpu.memory_space<vmem>> -> memref<128xi32, #tpu.memory_space<vmem>>
        %dma_wait3A_236 = arith.constant 0 : i32
        %dma_wait3A_237 = arith.constant 0 : i32
        %dma_wait3A_238 = tpu.memref_slice %arg3[%arg0, %dma_wait3A_236, %dma_wait3A_237] : memref<2x50000x32xbf16, #tpu.memory_space<hbm>> -> memref<1x50000x32xbf16, #tpu.memory_space<hbm>>
        %dma_wait3A_239 = tpu.memref_squeeze %dma_wait3A_238 : memref<1x50000x32xbf16, #tpu.memory_space<hbm>> -> memref<50000x32xbf16, #tpu.memory_space<hbm>>
        %dma_wait3A_240 = arith.constant 0 : i32
        %dma_wait3A_241 = arith.constant 0 : i32
        %dma_wait3A_242 = tpu.memref_slice %dma_wait3A_239[%dma_wait3A_240, %dma_wait3A_241] : memref<50000x32xbf16, #tpu.memory_space<hbm>> -> memref<50000x32xbf16, #tpu.memory_space<hbm>>
        tpu.wait_indirect_dma semaphore(%arg15 : memref<!tpu.dma_semaphore, #tpu.memory_space<semaphore_mem>>) src(%dma_wait3A_242 : memref<50000x32xbf16, #tpu.memory_space<hbm>>) dst(%arg10 : memref<128x32xbf16, #tpu.memory_space<vmem>>)
        %run_scoped3A = arith.constant 1 : i32
        "tpu.region"() ({
          %run_scoped3A_266 = tpu.sem_alloc : memref<!tpu.dma_semaphore, #tpu.memory_space<semaphore_mem>>
          %dma_start3A_267 = arith.constant 0 : i32
          %dma_start3A_268 = arith.constant 0 : i32
          %dma_start3A_269 = tpu.memref_slice %arg9[%run_scoped3A, %dma_start3A_267, %dma_start3A_268] : memref<2x28x128xi32, #tpu.memory_space<vmem>> -> memref<1x28x128xi32, #tpu.memory_space<vmem>>
          %dma_start3A_270 = tpu.memref_squeeze %dma_start3A_269 : memref<1x28x128xi32, #tpu.memory_space<vmem>> -> memref<28x128xi32, #tpu.memory_space<vmem>>
          %dma_start3A_271 = arith.constant 0 : i32
          %dma_start3A_272 = tpu.memref_slice %dma_start3A_270[%mul3A_210, %dma_start3A_271] : memref<28x128xi32, #tpu.memory_space<vmem>> -> memref<1x128xi32, #tpu.memory_space<vmem>>
          %dma_start3A_273 = tpu.memref_squeeze %dma_start3A_272 : memref<1x128xi32, #tpu.memory_space<vmem>> -> memref<128xi32, #tpu.memory_space<vmem>>
          %dma_start3A_274 = arith.constant 0 : i32
          %dma_start3A_275 = arith.constant 0 : i32
          %dma_start3A_276 = tpu.memref_slice %arg14[%dma_start3A_274, %dma_start3A_275] : memref<51200x32xbf16, #tpu.memory_space<vmem_shared>> -> memref<51200x32xbf16, #tpu.memory_space<vmem_shared>>
          tpu.enqueue_indirect_dma source(%arg10 : memref<128x32xbf16, #tpu.memory_space<vmem>>) target(%dma_start3A_276 : memref<51200x32xbf16, #tpu.memory_space<vmem_shared>>) offsets(%dma_start3A_273 : memref<128xi32, #tpu.memory_space<vmem>>) semaphore(%run_scoped3A_266 : memref<!tpu.dma_semaphore, #tpu.memory_space<semaphore_mem>>) {add = true}
          %dma_wait3A_277 = arith.constant 0 : i32
          %dma_wait3A_278 = arith.constant 0 : i32
          %dma_wait3A_279 = tpu.memref_slice %arg9[%run_scoped3A, %dma_wait3A_277, %dma_wait3A_278] : memref<2x28x128xi32, #tpu.memory_space<vmem>> -> memref<1x28x128xi32, #tpu.memory_space<vmem>>
          %dma_wait3A_280 = tpu.memref_squeeze %dma_wait3A_279 : memref<1x28x128xi32, #tpu.memory_space<vmem>> -> memref<28x128xi32, #tpu.memory_space<vmem>>
          %dma_wait3A_281 = arith.constant 0 : i32
          %dma_wait3A_282 = tpu.memref_slice %dma_wait3A_280[%mul3A_210, %dma_wait3A_281] : memref<28x128xi32, #tpu.memory_space<vmem>> -> memref<1x128xi32, #tpu.memory_space<vmem>>
          %dma_wait3A_283 = tpu.memref_squeeze %dma_wait3A_282 : memref<1x128xi32, #tpu.memory_space<vmem>> -> memref<128xi32, #tpu.memory_space<vmem>>
          %dma_wait3A_284 = arith.constant 0 : i32
          %dma_wait3A_285 = arith.constant 0 : i32
          %dma_wait3A_286 = tpu.memref_slice %arg14[%dma_wait3A_284, %dma_wait3A_285] : memref<51200x32xbf16, #tpu.memory_space<vmem_shared>> -> memref<51200x32xbf16, #tpu.memory_space<vmem_shared>>
          tpu.wait_indirect_dma semaphore(%run_scoped3A_266 : memref<!tpu.dma_semaphore, #tpu.memory_space<semaphore_mem>>) src(%arg10 : memref<128x32xbf16, #tpu.memory_space<vmem>>) dst(%dma_wait3A_286 : memref<51200x32xbf16, #tpu.memory_space<vmem_shared>>)
          tpu.yield
        }) : () -> ()
        %lt3A_243 = arith.constant 13 : i32
        %lt3A_244 = arith.cmpi slt, %add3A_208, %lt3A_243 : i32
        %convert_element_type3A_245 = arith.extui %lt3A_244 : i1 to i32
        %cond3A_246 = arith.constant 0 : i32
        %cond3A_247 = arith.cmpi ne, %convert_element_type3A_245, %cond3A_246 : i32
        scf.if %cond3A_247 {
          %add3A_266 = arith.constant 2 : i32
          %add3A_267 = arith.addi %mul3A_210, %add3A_266 : i32
          %dma_start3A_268 = arith.constant 1 : i32
          %dma_start3A_269 = arith.constant 0 : i32
          %dma_start3A_270 = arith.constant 0 : i32
          %dma_start3A_271 = tpu.memref_slice %arg8[%dma_start3A_268, %dma_start3A_269, %dma_start3A_270] : memref<2x28x128xi32, #tpu.memory_space<vmem>> -> memref<1x28x128xi32, #tpu.memory_space<vmem>>
          %dma_start3A_272 = tpu.memref_squeeze %dma_start3A_271 : memref<1x28x128xi32, #tpu.memory_space<vmem>> -> memref<28x128xi32, #tpu.memory_space<vmem>>
          %dma_start3A_273 = arith.constant 0 : i32
          %dma_start3A_274 = tpu.memref_slice %dma_start3A_272[%add3A_267, %dma_start3A_273] : memref<28x128xi32, #tpu.memory_space<vmem>> -> memref<1x128xi32, #tpu.memory_space<vmem>>
          %dma_start3A_275 = tpu.memref_squeeze %dma_start3A_274 : memref<1x128xi32, #tpu.memory_space<vmem>> -> memref<128xi32, #tpu.memory_space<vmem>>
          %dma_start3A_276 = arith.constant 0 : i32
          %dma_start3A_277 = arith.constant 0 : i32
          %dma_start3A_278 = tpu.memref_slice %arg3[%arg0, %dma_start3A_276, %dma_start3A_277] : memref<2x50000x32xbf16, #tpu.memory_space<hbm>> -> memref<1x50000x32xbf16, #tpu.memory_space<hbm>>
          %dma_start3A_279 = tpu.memref_squeeze %dma_start3A_278 : memref<1x50000x32xbf16, #tpu.memory_space<hbm>> -> memref<50000x32xbf16, #tpu.memory_space<hbm>>
          %dma_start3A_280 = arith.constant 0 : i32
          %dma_start3A_281 = arith.constant 0 : i32
          %dma_start3A_282 = tpu.memref_slice %dma_start3A_279[%dma_start3A_280, %dma_start3A_281] : memref<50000x32xbf16, #tpu.memory_space<hbm>> -> memref<50000x32xbf16, #tpu.memory_space<hbm>>
          tpu.enqueue_indirect_dma source(%dma_start3A_282 : memref<50000x32xbf16, #tpu.memory_space<hbm>>) target(%arg10 : memref<128x32xbf16, #tpu.memory_space<vmem>>) offsets(%dma_start3A_275 : memref<128xi32, #tpu.memory_space<vmem>>) semaphore(%arg15 : memref<!tpu.dma_semaphore, #tpu.memory_space<semaphore_mem>>)
        } else {
        }
        %add3A_248 = arith.constant 1 : i32
        %add3A_249 = arith.addi %mul3A_210, %add3A_248 : i32
        %dma_wait3A_250 = arith.constant 1 : i32
        %dma_wait3A_251 = arith.constant 0 : i32
        %dma_wait3A_252 = arith.constant 0 : i32
        %dma_wait3A_253 = tpu.memref_slice %arg8[%dma_wait3A_250, %dma_wait3A_251, %dma_wait3A_252] : memref<2x28x128xi32, #tpu.memory_space<vmem>> -> memref<1x28x128xi32, #tpu.memory_space<vmem>>
        %dma_wait3A_254 = tpu.memref_squeeze %dma_wait3A_253 : memref<1x28x128xi32, #tpu.memory_space<vmem>> -> memref<28x128xi32, #tpu.memory_space<vmem>>
        %dma_wait3A_255 = arith.constant 0 : i32
        %dma_wait3A_256 = tpu.memref_slice %dma_wait3A_254[%add3A_249, %dma_wait3A_255] : memref<28x128xi32, #tpu.memory_space<vmem>> -> memref<1x128xi32, #tpu.memory_space<vmem>>
        %dma_wait3A_257 = tpu.memref_squeeze %dma_wait3A_256 : memref<1x128xi32, #tpu.memory_space<vmem>> -> memref<128xi32, #tpu.memory_space<vmem>>
        %dma_wait3A_258 = arith.constant 0 : i32
        %dma_wait3A_259 = arith.constant 0 : i32
        %dma_wait3A_260 = tpu.memref_slice %arg3[%arg0, %dma_wait3A_258, %dma_wait3A_259] : memref<2x50000x32xbf16, #tpu.memory_space<hbm>> -> memref<1x50000x32xbf16, #tpu.memory_space<hbm>>
        %dma_wait3A_261 = tpu.memref_squeeze %dma_wait3A_260 : memref<1x50000x32xbf16, #tpu.memory_space<hbm>> -> memref<50000x32xbf16, #tpu.memory_space<hbm>>
        %dma_wait3A_262 = arith.constant 0 : i32
        %dma_wait3A_263 = arith.constant 0 : i32
        %dma_wait3A_264 = tpu.memref_slice %dma_wait3A_261[%dma_wait3A_262, %dma_wait3A_263] : memref<50000x32xbf16, #tpu.memory_space<hbm>> -> memref<50000x32xbf16, #tpu.memory_space<hbm>>
        tpu.wait_indirect_dma semaphore(%arg16 : memref<!tpu.dma_semaphore, #tpu.memory_space<semaphore_mem>>) src(%dma_wait3A_264 : memref<50000x32xbf16, #tpu.memory_space<hbm>>) dst(%arg11 : memref<128x32xbf16, #tpu.memory_space<vmem>>)
        %run_scoped3A_265 = arith.constant 1 : i32
        "tpu.region"() ({
          %run_scoped3A_266 = tpu.sem_alloc : memref<!tpu.dma_semaphore, #tpu.memory_space<semaphore_mem>>
          %dma_start3A_267 = arith.constant 0 : i32
          %dma_start3A_268 = arith.constant 0 : i32
          %dma_start3A_269 = tpu.memref_slice %arg9[%run_scoped3A_265, %dma_start3A_267, %dma_start3A_268] : memref<2x28x128xi32, #tpu.memory_space<vmem>> -> memref<1x28x128xi32, #tpu.memory_space<vmem>>
          %dma_start3A_270 = tpu.memref_squeeze %dma_start3A_269 : memref<1x28x128xi32, #tpu.memory_space<vmem>> -> memref<28x128xi32, #tpu.memory_space<vmem>>
          %dma_start3A_271 = arith.constant 0 : i32
          %dma_start3A_272 = tpu.memref_slice %dma_start3A_270[%add3A_249, %dma_start3A_271] : memref<28x128xi32, #tpu.memory_space<vmem>> -> memref<1x128xi32, #tpu.memory_space<vmem>>
          %dma_start3A_273 = tpu.memref_squeeze %dma_start3A_272 : memref<1x128xi32, #tpu.memory_space<vmem>> -> memref<128xi32, #tpu.memory_space<vmem>>
          %dma_start3A_274 = arith.constant 0 : i32
          %dma_start3A_275 = arith.constant 0 : i32
          %dma_start3A_276 = tpu.memref_slice %arg14[%dma_start3A_274, %dma_start3A_275] : memref<51200x32xbf16, #tpu.memory_space<vmem_shared>> -> memref<51200x32xbf16, #tpu.memory_space<vmem_shared>>
          tpu.enqueue_indirect_dma source(%arg11 : memref<128x32xbf16, #tpu.memory_space<vmem>>) target(%dma_start3A_276 : memref<51200x32xbf16, #tpu.memory_space<vmem_shared>>) offsets(%dma_start3A_273 : memref<128xi32, #tpu.memory_space<vmem>>) semaphore(%run_scoped3A_266 : memref<!tpu.dma_semaphore, #tpu.memory_space<semaphore_mem>>) {add = true}
          %dma_wait3A_277 = arith.constant 0 : i32
          %dma_wait3A_278 = arith.constant 0 : i32
          %dma_wait3A_279 = tpu.memref_slice %arg9[%run_scoped3A_265, %dma_wait3A_277, %dma_wait3A_278] : memref<2x28x128xi32, #tpu.memory_space<vmem>> -> memref<1x28x128xi32, #tpu.memory_space<vmem>>
          %dma_wait3A_280 = tpu.memref_squeeze %dma_wait3A_279 : memref<1x28x128xi32, #tpu.memory_space<vmem>> -> memref<28x128xi32, #tpu.memory_space<vmem>>
          %dma_wait3A_281 = arith.constant 0 : i32
          %dma_wait3A_282 = tpu.memref_slice %dma_wait3A_280[%add3A_249, %dma_wait3A_281] : memref<28x128xi32, #tpu.memory_space<vmem>> -> memref<1x128xi32, #tpu.memory_space<vmem>>
          %dma_wait3A_283 = tpu.memref_squeeze %dma_wait3A_282 : memref<1x128xi32, #tpu.memory_space<vmem>> -> memref<128xi32, #tpu.memory_space<vmem>>
          %dma_wait3A_284 = arith.constant 0 : i32
          %dma_wait3A_285 = arith.constant 0 : i32
          %dma_wait3A_286 = tpu.memref_slice %arg14[%dma_wait3A_284, %dma_wait3A_285] : memref<51200x32xbf16, #tpu.memory_space<vmem_shared>> -> memref<51200x32xbf16, #tpu.memory_space<vmem_shared>>
          tpu.wait_indirect_dma semaphore(%run_scoped3A_266 : memref<!tpu.dma_semaphore, #tpu.memory_space<semaphore_mem>>) src(%arg11 : memref<128x32xbf16, #tpu.memory_space<vmem>>) dst(%dma_wait3A_286 : memref<51200x32xbf16, #tpu.memory_space<vmem_shared>>)
          tpu.yield
        }) : () -> ()
      }
      %scan3A_203 = arith.constant 14 : i32
    }
    %scan3A_49 = arith.constant 7 : i32
    %barrier3A_50 = arith.constant 0 : index
    tpu.barrier barrier_id(%barrier3A_50)
    %mul3A_51 = arith.constant 3128 : i32
    %mul3A_52 = arith.muli %arg1, %mul3A_51 : i32
    %mul3A_53 = arith.constant 3128 : i32
    %mul3A_54 = arith.muli %arg1, %mul3A_53 : i32
    "tpu.region"() ({
      %run_scoped3A = tpu.sem_alloc : memref<!tpu.dma_semaphore, #tpu.memory_space<semaphore_mem>>
      %dma_start3A_55 = arith.constant 0 : i32
      %dma_start3A_56 = arith.constant 0 : i32
      %dma_start3A_57 = tpu.memref_slice %arg6[%arg0, %dma_start3A_55, %dma_start3A_56] : memref<2x50048x32xbf16, #tpu.memory_space<hbm>> -> memref<1x50048x32xbf16, #tpu.memory_space<hbm>>
      %dma_start3A_58 = tpu.memref_squeeze %dma_start3A_57 : memref<1x50048x32xbf16, #tpu.memory_space<hbm>> -> memref<50048x32xbf16, #tpu.memory_space<hbm>>
      %dma_start3A_59 = arith.constant 0 : i32
      %dma_start3A_60 = tpu.memref_slice %dma_start3A_58[%mul3A_54, %dma_start3A_59] : memref<50048x32xbf16, #tpu.memory_space<hbm>> -> memref<3128x32xbf16, #tpu.memory_space<hbm>>
      %dma_start3A_61 = arith.constant 0 : i32
      %dma_start3A_62 = tpu.memref_slice %arg14[%mul3A_52, %dma_start3A_61] : memref<51200x32xbf16, #tpu.memory_space<vmem_shared>> -> memref<3128x32xbf16, #tpu.memory_space<vmem_shared>>
      tpu.enqueue_dma source(%dma_start3A_62 : memref<3128x32xbf16, #tpu.memory_space<vmem_shared>>) target(%dma_start3A_60 : memref<3128x32xbf16, #tpu.memory_space<hbm>>) target_semaphore(%run_scoped3A : memref<!tpu.dma_semaphore, #tpu.memory_space<semaphore_mem>>)
      %dma_wait3A = arith.constant 0 : i32
      %dma_wait3A_63 = arith.constant 0 : i32
      %dma_wait3A_64 = tpu.memref_slice %arg6[%arg0, %dma_wait3A, %dma_wait3A_63] : memref<2x50048x32xbf16, #tpu.memory_space<hbm>> -> memref<1x50048x32xbf16, #tpu.memory_space<hbm>>
      %dma_wait3A_65 = tpu.memref_squeeze %dma_wait3A_64 : memref<1x50048x32xbf16, #tpu.memory_space<hbm>> -> memref<50048x32xbf16, #tpu.memory_space<hbm>>
      %dma_wait3A_66 = arith.constant 0 : i32
      %dma_wait3A_67 = tpu.memref_slice %dma_wait3A_65[%mul3A_54, %dma_wait3A_66] : memref<50048x32xbf16, #tpu.memory_space<hbm>> -> memref<3128x32xbf16, #tpu.memory_space<hbm>>
      %dma_wait3A_68 = arith.constant 0 : i32
      %dma_wait3A_69 = tpu.memref_slice %arg14[%mul3A_52, %dma_wait3A_68] : memref<51200x32xbf16, #tpu.memory_space<vmem_shared>> -> memref<3128x32xbf16, #tpu.memory_space<vmem_shared>>
      tpu.wait_dma2 semaphore(%run_scoped3A : memref<!tpu.dma_semaphore, #tpu.memory_space<semaphore_mem>>) src(%dma_wait3A_69 : memref<3128x32xbf16, #tpu.memory_space<vmem_shared>>) dst(%dma_wait3A_67 : memref<3128x32xbf16, #tpu.memory_space<hbm>>)
      tpu.yield
    }) : () -> ()
    return
  }
}

module attributes {stable_mosaic.version = 14 : i64} {
  func.func @_tc_in_body(%arg0: i32, %arg1: memref<2000x128xf32, #tpu.memory_space<vmem>>, %arg2: memref<128x64xf32, #tpu.memory_space<vmem>>, %arg3: memref<1x64xf32, #tpu.memory_space<vmem>>, %arg4: memref<64x64xf32, #tpu.memory_space<vmem>>, %arg5: memref<64x64xf32, #tpu.memory_space<vmem>>, %arg6: memref<1x64xf32, #tpu.memory_space<vmem>>, %arg7: memref<2x2000x32xbf16, #tpu.memory_space<vmem>>, %arg8: memref<2000x64xf32, #tpu.memory_space<vmem>>) attributes {dimension_semantics = [#tpu.dimension_semantics<arbitrary>], iteration_bounds = array<i64: 25>, scalar_prefetch = 0 : i64, scratch_operands = 0 : i64, tpu.core_type = #tpu.core_type<tc>, window_params = [{transform_indices = @transform_0, window_bounds = array<i64: 2000, 128>}, {pipeline_mode = #tpu.pipeline_mode<synchronous>, transform_indices = @transform_1, window_bounds = array<i64: 128, 64>}, {pipeline_mode = #tpu.pipeline_mode<synchronous>, transform_indices = @transform_2, window_bounds = array<i64: 1, 64>}, {pipeline_mode = #tpu.pipeline_mode<synchronous>, transform_indices = @transform_3, window_bounds = array<i64: 64, 64>}, {pipeline_mode = #tpu.pipeline_mode<synchronous>, transform_indices = @transform_4, window_bounds = array<i64: 64, 64>}, {pipeline_mode = #tpu.pipeline_mode<synchronous>, transform_indices = @transform_5, window_bounds = array<i64: 1, 64>}, {transform_indices = @transform_6, window_bounds = array<i64: 2, 2000, 32>}, {transform_indices = @transform_7, window_bounds = array<i64: 2000, 64>}]} {
    %get3A = arith.constant 0 : index
    %get3A_0 = arith.constant 0 : index
    %get3A_1 = vector.load %arg1[%get3A, %get3A_0] : memref<2000x128xf32, #tpu.memory_space<vmem>>, vector<2000x128xf32>
    %get3A_2 = arith.constant 0 : index
    %get3A_3 = arith.constant 0 : index
    %get3A_4 = vector.load %arg2[%get3A_2, %get3A_3] : memref<128x64xf32, #tpu.memory_space<vmem>>, vector<128x64xf32>
    %dot_general3A = arith.constant dense<0.000000e+00> : vector<2000x64xf32>
    %dot_general3A_5 = tpu.matmul %get3A_1, %get3A_4, %dot_general3A {dimension_numbers = #tpu.dot_dimension_numbers<[1], [0], [0], [1], [0, 0, 1, 1], [], []>, transpose_lhs_hint = false} : vector<2000x128xf32>, vector<128x64xf32>, vector<2000x64xf32> -> vector<2000x64xf32>
    %get3A_6 = arith.constant 0 : index
    %get3A_7 = arith.constant 0 : index
    %get3A_8 = vector.load %arg3[%get3A_6, %get3A_7] : memref<1x64xf32, #tpu.memory_space<vmem>>, vector<1x64xf32>
    %add3A = vector.broadcast %get3A_8 : vector<1x64xf32> to vector<2000x64xf32>
    %add3A_9 = arith.addf %dot_general3A_5, %add3A : vector<2000x64xf32>
    %max3A = arith.constant 0.000000e+00 : f32
    %max3A_10 = vector.broadcast %max3A : f32 to vector<2000x64xf32>
    %max3A_11 = arith.maximumf %add3A_9, %max3A_10 : vector<2000x64xf32>
    %get3A_12 = arith.constant 0 : index
    %get3A_13 = arith.constant 0 : index
    %get3A_14 = vector.load %arg4[%get3A_12, %get3A_13] : memref<64x64xf32, #tpu.memory_space<vmem>>, vector<64x64xf32>
    %dot_general3A_15 = arith.constant dense<0.000000e+00> : vector<2000x64xf32>
    %dot_general3A_16 = tpu.matmul %max3A_11, %get3A_14, %dot_general3A_15 {dimension_numbers = #tpu.dot_dimension_numbers<[1], [0], [0], [1], [0, 0, 1, 1], [], []>, transpose_lhs_hint = false} : vector<2000x64xf32>, vector<64x64xf32>, vector<2000x64xf32> -> vector<2000x64xf32>
    %convert_element_type3A = arith.truncf %dot_general3A_16 : vector<2000x64xf32> to vector<2000x64xbf16>
    %slice3A = vector.extract_strided_slice %convert_element_type3A {offsets = [0, 0], sizes = [2000, 32], strides = [1, 1]} : vector<2000x64xbf16> to vector<2000x32xbf16>
    %swap3A = arith.constant 0 : index
    %swap3A_17 = arith.constant 0 : index
    %swap3A_18 = arith.constant 0 : index
    %swap3A_19 = vector.load %arg7[%swap3A, %swap3A_17, %swap3A_18] : memref<2x2000x32xbf16, #tpu.memory_space<vmem>>, vector<1x2000x32xbf16>
    %swap3A_20 = vector.shape_cast %swap3A_19 : vector<1x2000x32xbf16> to vector<2000x32xbf16>
    %swap3A_21 = vector.shape_cast %slice3A : vector<2000x32xbf16> to vector<1x2000x32xbf16>
    tpu.vector_store %arg7[%swap3A, %swap3A_17, %swap3A_18], %swap3A_21 {strides = array<i32>} : memref<2x2000x32xbf16, #tpu.memory_space<vmem>>, vector<1x2000x32xbf16>,
    %slice3A_22 = vector.extract_strided_slice %convert_element_type3A {offsets = [0, 32], sizes = [2000, 32], strides = [1, 1]} : vector<2000x64xbf16> to vector<2000x32xbf16>
    %swap3A_23 = arith.constant 1 : index
    %swap3A_24 = arith.constant 0 : index
    %swap3A_25 = arith.constant 0 : index
    %swap3A_26 = vector.load %arg7[%swap3A_23, %swap3A_24, %swap3A_25] : memref<2x2000x32xbf16, #tpu.memory_space<vmem>>, vector<1x2000x32xbf16>
    %swap3A_27 = vector.shape_cast %swap3A_26 : vector<1x2000x32xbf16> to vector<2000x32xbf16>
    %swap3A_28 = vector.shape_cast %slice3A_22 : vector<2000x32xbf16> to vector<1x2000x32xbf16>
    tpu.vector_store %arg7[%swap3A_23, %swap3A_24, %swap3A_25], %swap3A_28 {strides = array<i32>} : memref<2x2000x32xbf16, #tpu.memory_space<vmem>>, vector<1x2000x32xbf16>,
    %get3A_29 = arith.constant 0 : index
    %get3A_30 = arith.constant 0 : index
    %get3A_31 = vector.load %arg5[%get3A_29, %get3A_30] : memref<64x64xf32, #tpu.memory_space<vmem>>, vector<64x64xf32>
    %dot_general3A_32 = arith.constant dense<0.000000e+00> : vector<2000x64xf32>
    %dot_general3A_33 = tpu.matmul %max3A_11, %get3A_31, %dot_general3A_32 {dimension_numbers = #tpu.dot_dimension_numbers<[1], [0], [0], [1], [0, 0, 1, 1], [], []>, transpose_lhs_hint = false} : vector<2000x64xf32>, vector<64x64xf32>, vector<2000x64xf32> -> vector<2000x64xf32>
    %get3A_34 = arith.constant 0 : index
    %get3A_35 = arith.constant 0 : index
    %get3A_36 = vector.load %arg6[%get3A_34, %get3A_35] : memref<1x64xf32, #tpu.memory_space<vmem>>, vector<1x64xf32>
    %add3A_37 = vector.broadcast %get3A_36 : vector<1x64xf32> to vector<2000x64xf32>
    %add3A_38 = arith.addf %dot_general3A_33, %add3A_37 : vector<2000x64xf32>
    %swap3A_39 = arith.constant 0 : index
    %swap3A_40 = arith.constant 0 : index
    %swap3A_41 = vector.load %arg8[%swap3A_39, %swap3A_40] : memref<2000x64xf32, #tpu.memory_space<vmem>>, vector<2000x64xf32>
    tpu.vector_store %arg8[%swap3A_39, %swap3A_40], %add3A_38 {strides = array<i32>} : memref<2000x64xf32, #tpu.memory_space<vmem>>, vector<2000x64xf32>,
    return
  }
  func.func @transform_0(%arg0: i32) -> (i32, i32) {
    %c0_i32 = arith.constant 0 : i32
    %c0_i32_0 = arith.constant 0 : i32
    return %arg0, %c0_i32 : i32, i32
  }
  func.func @transform_1(%arg0: i32) -> (i32, i32) {
    %c0_i32 = arith.constant 0 : i32
    %c0_i32_0 = arith.constant 0 : i32
    %c0_i32_1 = arith.constant 0 : i32
    return %c0_i32, %c0_i32_0 : i32, i32
  }
  func.func @transform_2(%arg0: i32) -> (i32, i32) {
    %c0_i32 = arith.constant 0 : i32
    %c0_i32_0 = arith.constant 0 : i32
    %c0_i32_1 = arith.constant 0 : i32
    return %c0_i32, %c0_i32_0 : i32, i32
  }
  func.func @transform_3(%arg0: i32) -> (i32, i32) {
    %c0_i32 = arith.constant 0 : i32
    %c0_i32_0 = arith.constant 0 : i32
    %c0_i32_1 = arith.constant 0 : i32
    return %c0_i32, %c0_i32_0 : i32, i32
  }
  func.func @transform_4(%arg0: i32) -> (i32, i32) {
    %c0_i32 = arith.constant 0 : i32
    %c0_i32_0 = arith.constant 0 : i32
    %c0_i32_1 = arith.constant 0 : i32
    return %c0_i32, %c0_i32_0 : i32, i32
  }
  func.func @transform_5(%arg0: i32) -> (i32, i32) {
    %c0_i32 = arith.constant 0 : i32
    %c0_i32_0 = arith.constant 0 : i32
    %c0_i32_1 = arith.constant 0 : i32
    return %c0_i32, %c0_i32_0 : i32, i32
  }
  func.func @transform_6(%arg0: i32) -> (i32, i32, i32) {
    %c0_i32 = arith.constant 0 : i32
    %c0_i32_0 = arith.constant 0 : i32
    %c0_i32_1 = arith.constant 0 : i32
    return %c0_i32, %arg0, %c0_i32_0 : i32, i32, i32
  }
  func.func @transform_7(%arg0: i32) -> (i32, i32) {
    %c0_i32 = arith.constant 0 : i32
    %c0_i32_0 = arith.constant 0 : i32
    return %arg0, %c0_i32 : i32, i32
  }
}

module attributes {stable_mosaic.version = 14 : i64} {
  func.func @_mid_body(%arg0: i32, %arg1: memref<1x1xi32, #tpu.memory_space<vmem>>, %arg2: memref<2x2000x32xbf16, #tpu.memory_space<vmem>>, %arg3: memref<2x2000x32xbf16, #tpu.memory_space<vmem>>, %arg4: memref<2000x64xf32, #tpu.memory_space<vmem>>, %arg5: memref<2000x1xf32, #tpu.memory_space<vmem>>, %arg6: memref<1x64xf32, #tpu.memory_space<vmem>>, %arg7: memref<1x64xf32, #tpu.memory_space<vmem>>, %arg8: memref<64x64xf32, #tpu.memory_space<vmem>>, %arg9: memref<64x64xf32, #tpu.memory_space<vmem>>, %arg10: memref<1x64xf32, #tpu.memory_space<vmem>>, %arg11: memref<2x2000x32xbf16, #tpu.memory_space<vmem>>, %arg12: memref<2000x64xf32, #tpu.memory_space<vmem>>, %arg13: memref<2000x1xf32, #tpu.memory_space<vmem>>, %arg14: memref<2000x64xf32, #tpu.memory_space<vmem>>) attributes {dimension_semantics = [#tpu.dimension_semantics<arbitrary>], iteration_bounds = array<i64: 25>, scalar_prefetch = 0 : i64, scratch_operands = 0 : i64, tpu.core_type = #tpu.core_type<tc>, window_params = [{pipeline_mode = #tpu.pipeline_mode<synchronous>, transform_indices = @transform_0, window_bounds = array<i64: 1, 1>}, {transform_indices = @transform_1, window_bounds = array<i64: 2, 2000, 32>}, {transform_indices = @transform_2, window_bounds = array<i64: 2, 2000, 32>}, {transform_indices = @transform_3, window_bounds = array<i64: 2000, 64>}, {transform_indices = @transform_4, window_bounds = array<i64: 2000, 1>}, {pipeline_mode = #tpu.pipeline_mode<synchronous>, transform_indices = @transform_5, window_bounds = array<i64: 1, 64>}, {pipeline_mode = #tpu.pipeline_mode<synchronous>, transform_indices = @transform_6, window_bounds = array<i64: 1, 64>}, {pipeline_mode = #tpu.pipeline_mode<synchronous>, transform_indices = @transform_7, window_bounds = array<i64: 64, 64>}, {pipeline_mode = #tpu.pipeline_mode<synchronous>, transform_indices = @transform_8, window_bounds = array<i64: 64, 64>}, {pipeline_mode = #tpu.pipeline_mode<synchronous>, transform_indices = @transform_9, window_bounds = array<i64: 1, 64>}, {transform_indices = @transform_10, window_bounds = array<i64: 2, 2000, 32>}, {transform_indices = @transform_11, window_bounds = array<i64: 2000, 64>}, {transform_indices = @transform_12, window_bounds = array<i64: 2000, 1>}, {transform_indices = @transform_13, window_bounds = array<i64: 2000, 64>}]} {
    %get3A = arith.constant 0 : index
    %get3A_0 = arith.constant 0 : index
    %get3A_1 = vector.load %arg1[%get3A, %get3A_0] : memref<1x1xi32, #tpu.memory_space<vmem>>, vector<1x1xi32>
    %get3A_2 = vector.extract %get3A_1[0, 0] : i32 from vector<1x1xi32>
    %get3A_3 = arith.constant 0 : index
    %get3A_4 = arith.constant 0 : index
    %get3A_5 = arith.constant 0 : index
    %get3A_6 = vector.load %arg2[%get3A_3, %get3A_4, %get3A_5] : memref<2x2000x32xbf16, #tpu.memory_space<vmem>>, vector<1x2000x32xbf16>
    %get3A_7 = vector.shape_cast %get3A_6 : vector<1x2000x32xbf16> to vector<2000x32xbf16>
    %get3A_8 = arith.constant 1 : index
    %get3A_9 = arith.constant 0 : index
    %get3A_10 = arith.constant 0 : index
    %get3A_11 = vector.load %arg2[%get3A_8, %get3A_9, %get3A_10] : memref<2x2000x32xbf16, #tpu.memory_space<vmem>>, vector<1x2000x32xbf16>
    %get3A_12 = vector.shape_cast %get3A_11 : vector<1x2000x32xbf16> to vector<2000x32xbf16>
    %concatenate3A = tpu.concatenate %get3A_7, %get3A_12 in 1 : vector<2000x32xbf16>, vector<2000x32xbf16> -> vector<2000x64xbf16>
    %convert_element_type3A = arith.extf %concatenate3A : vector<2000x64xbf16> to vector<2000x64xf32>
    %get3A_13 = arith.constant 0 : index
    %get3A_14 = arith.constant 0 : index
    %get3A_15 = arith.constant 0 : index
    %get3A_16 = vector.load %arg3[%get3A_13, %get3A_14, %get3A_15] : memref<2x2000x32xbf16, #tpu.memory_space<vmem>>, vector<1x2000x1xbf16>
    %get3A_17 = vector.shape_cast %get3A_16 : vector<1x2000x1xbf16> to vector<2000x1xbf16>
    %get3A_18 = arith.constant 1 : index
    %get3A_19 = arith.constant 0 : index
    %get3A_20 = arith.constant 0 : index
    %get3A_21 = vector.load %arg3[%get3A_18, %get3A_19, %get3A_20] : memref<2x2000x32xbf16, #tpu.memory_space<vmem>>, vector<1x2000x1xbf16>
    %get3A_22 = vector.shape_cast %get3A_21 : vector<1x2000x1xbf16> to vector<2000x1xbf16>
    %add3A = arith.addf %get3A_17, %get3A_22 : vector<2000x1xbf16>
    %convert_element_type3A_23 = arith.extf %add3A : vector<2000x1xbf16> to vector<2000x1xf32>
    %eq3A = arith.constant 1 : i32
    %eq3A_24 = arith.cmpi eq, %get3A_2, %eq3A : i32
    %get3A_25 = arith.constant 0 : index
    %get3A_26 = arith.constant 0 : index
    %get3A_27 = vector.load %arg5[%get3A_25, %get3A_26] : memref<2000x1xf32, #tpu.memory_space<vmem>>, vector<2000x1xf32>
    %select_n3A = arith.select %eq3A_24, %convert_element_type3A_23, %get3A_27 : vector<2000x1xf32>
    %swap3A = arith.constant 0 : index
    %swap3A_28 = arith.constant 0 : index
    %swap3A_29 = vector.load %arg13[%swap3A, %swap3A_28] : memref<2000x1xf32, #tpu.memory_space<vmem>>, vector<2000x1xf32>
    tpu.vector_store %arg13[%swap3A, %swap3A_28], %select_n3A {strides = array<i32>} : memref<2000x1xf32, #tpu.memory_space<vmem>>, vector<2000x1xf32>,
    %max3A = arith.constant 1.000000e+00 : f32
    %max3A_30 = vector.broadcast %max3A : f32 to vector<2000x1xf32>
    %max3A_31 = arith.maximumf %select_n3A, %max3A_30 : vector<2000x1xf32>
    %div3A = arith.constant 1.000000e+00 : f32
    %div3A_32 = vector.broadcast %div3A : f32 to vector<2000x1xf32>
    %div3A_33 = arith.divf %div3A_32, %max3A_31 : vector<2000x1xf32>
    %mul3A = vector.broadcast %div3A_33 : vector<2000x1xf32> to vector<2000x64xf32>
    %mul3A_34 = arith.mulf %convert_element_type3A, %mul3A : vector<2000x64xf32>
    %get3A_35 = arith.constant 0 : index
    %get3A_36 = arith.constant 0 : index
    %get3A_37 = vector.load %arg4[%get3A_35, %get3A_36] : memref<2000x64xf32, #tpu.memory_space<vmem>>, vector<2000x64xf32>
    %add3A_38 = arith.addf %mul3A_34, %get3A_37 : vector<2000x64xf32>
    %swap3A_39 = arith.constant 0 : index
    %swap3A_40 = arith.constant 0 : index
    %swap3A_41 = vector.load %arg14[%swap3A_39, %swap3A_40] : memref<2000x64xf32, #tpu.memory_space<vmem>>, vector<2000x64xf32>
    tpu.vector_store %arg14[%swap3A_39, %swap3A_40], %add3A_38 {strides = array<i32>} : memref<2000x64xf32, #tpu.memory_space<vmem>>, vector<2000x64xf32>,
    %reduce_sum3A = arith.constant dense<0.000000e+00> : vector<2000xf32>
    %reduce_sum3A_42 = vector.multi_reduction <add>, %add3A_38, %reduce_sum3A [1] : vector<2000x64xf32> to vector<2000xf32>
    %broadcast_in_dim3A = vector.shape_cast %reduce_sum3A_42 : vector<2000xf32> to vector<2000x1xf32>
    %div3A_43 = arith.constant 6.400000e+01 : f32
    %div3A_44 = vector.broadcast %div3A_43 : f32 to vector<2000x1xf32>
    %div3A_45 = arith.divf %broadcast_in_dim3A, %div3A_44 : vector<2000x1xf32>
    %sub3A = vector.broadcast %div3A_45 : vector<2000x1xf32> to vector<2000x64xf32>
    %sub3A_46 = arith.subf %add3A_38, %sub3A : vector<2000x64xf32>
    %sub3A_47 = vector.broadcast %div3A_45 : vector<2000x1xf32> to vector<2000x64xf32>
    %sub3A_48 = arith.subf %add3A_38, %sub3A_47 : vector<2000x64xf32>
    %mul3A_49 = arith.mulf %sub3A_46, %sub3A_48 : vector<2000x64xf32>
    %reduce_sum3A_50 = arith.constant dense<0.000000e+00> : vector<2000xf32>
    %reduce_sum3A_51 = vector.multi_reduction <add>, %mul3A_49, %reduce_sum3A_50 [1] : vector<2000x64xf32> to vector<2000xf32>
    %broadcast_in_dim3A_52 = vector.shape_cast %reduce_sum3A_51 : vector<2000xf32> to vector<2000x1xf32>
    %div3A_53 = arith.constant 6.400000e+01 : f32
    %div3A_54 = vector.broadcast %div3A_53 : f32 to vector<2000x1xf32>
    %div3A_55 = arith.divf %broadcast_in_dim3A_52, %div3A_54 : vector<2000x1xf32>
    %sub3A_56 = vector.broadcast %div3A_45 : vector<2000x1xf32> to vector<2000x64xf32>
    %sub3A_57 = arith.subf %add3A_38, %sub3A_56 : vector<2000x64xf32>
    %add3A_58 = arith.constant 9.99999974E-6 : f32
    %add3A_59 = vector.broadcast %add3A_58 : f32 to vector<2000x1xf32>
    %add3A_60 = arith.addf %div3A_55, %add3A_59 : vector<2000x1xf32>
    %rsqrt3A = math.rsqrt %add3A_60 : vector<2000x1xf32>
    %mul3A_61 = vector.broadcast %rsqrt3A : vector<2000x1xf32> to vector<2000x64xf32>
    %mul3A_62 = arith.mulf %sub3A_57, %mul3A_61 : vector<2000x64xf32>
    %get3A_63 = arith.constant 0 : index
    %get3A_64 = arith.constant 0 : index
    %get3A_65 = vector.load %arg6[%get3A_63, %get3A_64] : memref<1x64xf32, #tpu.memory_space<vmem>>, vector<1x64xf32>
    %mul3A_66 = vector.broadcast %get3A_65 : vector<1x64xf32> to vector<2000x64xf32>
    %mul3A_67 = arith.mulf %mul3A_62, %mul3A_66 : vector<2000x64xf32>
    %get3A_68 = arith.constant 0 : index
    %get3A_69 = arith.constant 0 : index
    %get3A_70 = vector.load %arg7[%get3A_68, %get3A_69] : memref<1x64xf32, #tpu.memory_space<vmem>>, vector<1x64xf32>
    %add3A_71 = vector.broadcast %get3A_70 : vector<1x64xf32> to vector<2000x64xf32>
    %add3A_72 = arith.addf %mul3A_67, %add3A_71 : vector<2000x64xf32>
    %max3A_73 = arith.constant 0.000000e+00 : f32
    %max3A_74 = vector.broadcast %max3A_73 : f32 to vector<2000x64xf32>
    %max3A_75 = arith.maximumf %add3A_72, %max3A_74 : vector<2000x64xf32>
    %get3A_76 = arith.constant 0 : index
    %get3A_77 = arith.constant 0 : index
    %get3A_78 = vector.load %arg8[%get3A_76, %get3A_77] : memref<64x64xf32, #tpu.memory_space<vmem>>, vector<64x64xf32>
    %dot_general3A = arith.constant dense<0.000000e+00> : vector<2000x64xf32>
    %dot_general3A_79 = tpu.matmul %max3A_75, %get3A_78, %dot_general3A {dimension_numbers = #tpu.dot_dimension_numbers<[1], [0], [0], [1], [0, 0, 1, 1], [], []>, transpose_lhs_hint = false} : vector<2000x64xf32>, vector<64x64xf32>, vector<2000x64xf32> -> vector<2000x64xf32>
    %convert_element_type3A_80 = arith.truncf %dot_general3A_79 : vector<2000x64xf32> to vector<2000x64xbf16>
    %slice3A = vector.extract_strided_slice %convert_element_type3A_80 {offsets = [0, 0], sizes = [2000, 32], strides = [1, 1]} : vector<2000x64xbf16> to vector<2000x32xbf16>
    %swap3A_81 = arith.constant 0 : index
    %swap3A_82 = arith.constant 0 : index
    %swap3A_83 = arith.constant 0 : index
    %swap3A_84 = vector.load %arg11[%swap3A_81, %swap3A_82, %swap3A_83] : memref<2x2000x32xbf16, #tpu.memory_space<vmem>>, vector<1x2000x32xbf16>
    %swap3A_85 = vector.shape_cast %swap3A_84 : vector<1x2000x32xbf16> to vector<2000x32xbf16>
    %swap3A_86 = vector.shape_cast %slice3A : vector<2000x32xbf16> to vector<1x2000x32xbf16>
    tpu.vector_store %arg11[%swap3A_81, %swap3A_82, %swap3A_83], %swap3A_86 {strides = array<i32>} : memref<2x2000x32xbf16, #tpu.memory_space<vmem>>, vector<1x2000x32xbf16>,
    %slice3A_87 = vector.extract_strided_slice %convert_element_type3A_80 {offsets = [0, 32], sizes = [2000, 32], strides = [1, 1]} : vector<2000x64xbf16> to vector<2000x32xbf16>
    %swap3A_88 = arith.constant 1 : index
    %swap3A_89 = arith.constant 0 : index
    %swap3A_90 = arith.constant 0 : index
    %swap3A_91 = vector.load %arg11[%swap3A_88, %swap3A_89, %swap3A_90] : memref<2x2000x32xbf16, #tpu.memory_space<vmem>>, vector<1x2000x32xbf16>
    %swap3A_92 = vector.shape_cast %swap3A_91 : vector<1x2000x32xbf16> to vector<2000x32xbf16>
    %swap3A_93 = vector.shape_cast %slice3A_87 : vector<2000x32xbf16> to vector<1x2000x32xbf16>
    tpu.vector_store %arg11[%swap3A_88, %swap3A_89, %swap3A_90], %swap3A_93 {strides = array<i32>} : memref<2x2000x32xbf16, #tpu.memory_space<vmem>>, vector<1x2000x32xbf16>,
    %get3A_94 = arith.constant 0 : index
    %get3A_95 = arith.constant 0 : index
    %get3A_96 = vector.load %arg9[%get3A_94, %get3A_95] : memref<64x64xf32, #tpu.memory_space<vmem>>, vector<64x64xf32>
    %dot_general3A_97 = arith.constant dense<0.000000e+00> : vector<2000x64xf32>
    %dot_general3A_98 = tpu.matmul %max3A_75, %get3A_96, %dot_general3A_97 {dimension_numbers = #tpu.dot_dimension_numbers<[1], [0], [0], [1], [0, 0, 1, 1], [], []>, transpose_lhs_hint = false} : vector<2000x64xf32>, vector<64x64xf32>, vector<2000x64xf32> -> vector<2000x64xf32>
    %get3A_99 = arith.constant 0 : index
    %get3A_100 = arith.constant 0 : index
    %get3A_101 = vector.load %arg10[%get3A_99, %get3A_100] : memref<1x64xf32, #tpu.memory_space<vmem>>, vector<1x64xf32>
    %add3A_102 = vector.broadcast %get3A_101 : vector<1x64xf32> to vector<2000x64xf32>
    %add3A_103 = arith.addf %dot_general3A_98, %add3A_102 : vector<2000x64xf32>
    %swap3A_104 = arith.constant 0 : index
    %swap3A_105 = arith.constant 0 : index
    %swap3A_106 = vector.load %arg12[%swap3A_104, %swap3A_105] : memref<2000x64xf32, #tpu.memory_space<vmem>>, vector<2000x64xf32>
    tpu.vector_store %arg12[%swap3A_104, %swap3A_105], %add3A_103 {strides = array<i32>} : memref<2000x64xf32, #tpu.memory_space<vmem>>, vector<2000x64xf32>,
    return
  }
  func.func @transform_0(%arg0: i32) -> (i32, i32) {
    %c0_i32 = arith.constant 0 : i32
    %c0_i32_0 = arith.constant 0 : i32
    %c0_i32_1 = arith.constant 0 : i32
    return %c0_i32, %c0_i32_0 : i32, i32
  }
  func.func @transform_1(%arg0: i32) -> (i32, i32, i32) {
    %c0_i32 = arith.constant 0 : i32
    %c0_i32_0 = arith.constant 0 : i32
    %c0_i32_1 = arith.constant 0 : i32
    return %c0_i32, %arg0, %c0_i32_0 : i32, i32, i32
  }
  func.func @transform_2(%arg0: i32) -> (i32, i32, i32) {
    %c0_i32 = arith.constant 0 : i32
    %c0_i32_0 = arith.constant 0 : i32
    %c0_i32_1 = arith.constant 0 : i32
    return %c0_i32, %arg0, %c0_i32_0 : i32, i32, i32
  }
  func.func @transform_3(%arg0: i32) -> (i32, i32) {
    %c0_i32 = arith.constant 0 : i32
    %c0_i32_0 = arith.constant 0 : i32
    return %arg0, %c0_i32 : i32, i32
  }
  func.func @transform_4(%arg0: i32) -> (i32, i32) {
    %c0_i32 = arith.constant 0 : i32
    %c0_i32_0 = arith.constant 0 : i32
    return %arg0, %c0_i32 : i32, i32
  }
  func.func @transform_5(%arg0: i32) -> (i32, i32) {
    %c0_i32 = arith.constant 0 : i32
    %c0_i32_0 = arith.constant 0 : i32
    %c0_i32_1 = arith.constant 0 : i32
    return %c0_i32, %c0_i32_0 : i32, i32
  }
  func.func @transform_6(%arg0: i32) -> (i32, i32) {
    %c0_i32 = arith.constant 0 : i32
    %c0_i32_0 = arith.constant 0 : i32
    %c0_i32_1 = arith.constant 0 : i32
    return %c0_i32, %c0_i32_0 : i32, i32
  }
  func.func @transform_7(%arg0: i32) -> (i32, i32) {
    %c0_i32 = arith.constant 0 : i32
    %c0_i32_0 = arith.constant 0 : i32
    %c0_i32_1 = arith.constant 0 : i32
    return %c0_i32, %c0_i32_0 : i32, i32
  }
  func.func @transform_8(%arg0: i32) -> (i32, i32) {
    %c0_i32 = arith.constant 0 : i32
    %c0_i32_0 = arith.constant 0 : i32
    %c0_i32_1 = arith.constant 0 : i32
    return %c0_i32, %c0_i32_0 : i32, i32
  }
  func.func @transform_9(%arg0: i32) -> (i32, i32) {
    %c0_i32 = arith.constant 0 : i32
    %c0_i32_0 = arith.constant 0 : i32
    %c0_i32_1 = arith.constant 0 : i32
    return %c0_i32, %c0_i32_0 : i32, i32
  }
  func.func @transform_10(%arg0: i32) -> (i32, i32, i32) {
    %c0_i32 = arith.constant 0 : i32
    %c0_i32_0 = arith.constant 0 : i32
    %c0_i32_1 = arith.constant 0 : i32
    return %c0_i32, %arg0, %c0_i32_0 : i32, i32, i32
  }
  func.func @transform_11(%arg0: i32) -> (i32, i32) {
    %c0_i32 = arith.constant 0 : i32
    %c0_i32_0 = arith.constant 0 : i32
    return %arg0, %c0_i32 : i32, i32
  }
  func.func @transform_12(%arg0: i32) -> (i32, i32) {
    %c0_i32 = arith.constant 0 : i32
    %c0_i32_0 = arith.constant 0 : i32
    return %arg0, %c0_i32 : i32, i32
  }
  func.func @transform_13(%arg0: i32) -> (i32, i32) {
    %c0_i32 = arith.constant 0 : i32
    %c0_i32_0 = arith.constant 0 : i32
    return %arg0, %c0_i32 : i32, i32
  }
}

module attributes {stable_mosaic.version = 14 : i64} {
  func.func @_pool_body(%arg0: i32, %arg1: memref<2000x64xf32, #tpu.memory_space<vmem>>, %arg2: memref<1x1x2000xi32, #tpu.memory_space<vmem>>, %arg3: memref<64x64xf32, #tpu.memory_space<vmem>>) attributes {dimension_semantics = [#tpu.dimension_semantics<arbitrary>], iteration_bounds = array<i64: 25>, scalar_prefetch = 0 : i64, scratch_operands = 0 : i64, tpu.core_type = #tpu.core_type<tc>, window_params = [{transform_indices = @transform_0, window_bounds = array<i64: 2000, 64>}, {transform_indices = @transform_1, window_bounds = array<i64: 1, 1, 2000>}, {pipeline_mode = #tpu.pipeline_mode<synchronous>, transform_indices = @transform_2, window_bounds = array<i64: 64, 64>}]} {
    %get3A = arith.constant 0 : index
    %get3A_0 = arith.constant 0 : index
    %get3A_1 = vector.load %arg1[%get3A, %get3A_0] : memref<2000x64xf32, #tpu.memory_space<vmem>>, vector<2000x64xf32>
    %get3A_2 = arith.constant 0 : index
    %get3A_3 = arith.constant 0 : index
    %get3A_4 = arith.constant 0 : index
    %get3A_5 = vector.load %arg2[%get3A_2, %get3A_3, %get3A_4] : memref<1x1x2000xi32, #tpu.memory_space<vmem>>, vector<1x1x2000xi32>
    %get3A_6 = vector.shape_cast %get3A_5 : vector<1x1x2000xi32> to vector<2000xi32>
    %broadcast_in_dim3A = vector.shape_cast %get3A_6 : vector<2000xi32> to vector<2000x1xi32>
    %iota3A = tpu.iota {dimensions = array<i32: 1>} : vector<2000x64xi32>
    %eq3A = vector.broadcast %broadcast_in_dim3A : vector<2000x1xi32> to vector<2000x64xi32>
    %eq3A_7 = arith.cmpi eq, %eq3A, %iota3A : vector<2000x64xi32>
    %convert_element_type3A = arith.extui %eq3A_7 : vector<2000x64xi1> to vector<2000x64xi32>
    %convert_element_type3A_8 = arith.sitofp %convert_element_type3A : vector<2000x64xi32> to vector<2000x64xf32>
    %dot_general3A = arith.constant dense<0.000000e+00> : vector<64x64xf32>
    %dot_general3A_9 = tpu.matmul %convert_element_type3A_8, %get3A_1, %dot_general3A {dimension_numbers = #tpu.dot_dimension_numbers<[0], [0], [1], [1], [0, 1, 1, 1], [], []>, transpose_lhs_hint = false} : vector<2000x64xf32>, vector<2000x64xf32>, vector<64x64xf32> -> vector<64x64xf32>
    %eq3A_10 = arith.constant 0 : i32
    %eq3A_11 = arith.cmpi eq, %arg0, %eq3A_10 : i32
    %convert_element_type3A_12 = arith.extui %eq3A_11 : i1 to i32
    %cond3A = arith.constant 0 : i32
    %cond3A_13 = arith.cmpi ne, %convert_element_type3A_12, %cond3A : i32
    scf.if %cond3A_13 {
      %broadcast_in_dim3A_19 = arith.constant 0.000000e+00 : f32
      %broadcast_in_dim3A_20 = vector.broadcast %broadcast_in_dim3A_19 : f32 to vector<64x64xf32>
      %swap3A_21 = arith.constant 0 : index
      %swap3A_22 = arith.constant 0 : index
      %swap3A_23 = vector.load %arg3[%swap3A_21, %swap3A_22] : memref<64x64xf32, #tpu.memory_space<vmem>>, vector<64x64xf32>
      tpu.vector_store %arg3[%swap3A_21, %swap3A_22], %broadcast_in_dim3A_20 {strides = array<i32>} : memref<64x64xf32, #tpu.memory_space<vmem>>, vector<64x64xf32>,
    } else {
    }
    %get3A_14 = arith.constant 0 : index
    %get3A_15 = arith.constant 0 : index
    %get3A_16 = vector.load %arg3[%get3A_14, %get3A_15] : memref<64x64xf32, #tpu.memory_space<vmem>>, vector<64x64xf32>
    %add3A = arith.addf %get3A_16, %dot_general3A_9 : vector<64x64xf32>
    %swap3A = arith.constant 0 : index
    %swap3A_17 = arith.constant 0 : index
    %swap3A_18 = vector.load %arg3[%swap3A, %swap3A_17] : memref<64x64xf32, #tpu.memory_space<vmem>>, vector<64x64xf32>
    tpu.vector_store %arg3[%swap3A, %swap3A_17], %add3A {strides = array<i32>} : memref<64x64xf32, #tpu.memory_space<vmem>>, vector<64x64xf32>,
    return
  }
  func.func @transform_0(%arg0: i32) -> (i32, i32) {
    %c0_i32 = arith.constant 0 : i32
    %c0_i32_0 = arith.constant 0 : i32
    return %arg0, %c0_i32 : i32, i32
  }
  func.func @transform_1(%arg0: i32) -> (i32, i32, i32) {
    %c0_i32 = arith.constant 0 : i32
    %c0_i32_0 = arith.constant 0 : i32
    %c0_i32_1 = arith.constant 0 : i32
    return %arg0, %c0_i32, %c0_i32_0 : i32, i32, i32
  }
  func.func @transform_2(%arg0: i32) -> (i32, i32) {
    %c0_i32 = arith.constant 0 : i32
    %c0_i32_0 = arith.constant 0 : i32
    %c0_i32_1 = arith.constant 0 : i32
    return %c0_i32, %c0_i32_0 : i32, i32
  }
}

</mosaic_0001>

<sc_bundles>
// kernel: closed_call.17.cloned.1.call-start
scs
__scs_entry_jumppad:
0x0: {  	(pc) =	sbr.rel $0x88, $3  }
0x1: {  	(tag) =	ssettag $0x0;
	lr =	simm.s32 $0x1  }
0x2: {  	[smem:$0x3F8C] =	sst lr;
	_ =	strace $0xD0000000  }
0x3: {  	_ = 	snop  }
0x4: {  	_ = 	snop  }
0x5: {  	_ = 	snop  }
0x6: {  	_ = 	snop  }
0x7: {  	_ = 	snop  }
__scs_overlays_trampoline_lowered:
0x8: {  	[smem:$0x3F9B] =	sst s0  }
0x9: {  	[smem:$0x3F9C] =	sst s1  }
0xa: {  	[smem:$0x3F9D] =	sst s2  }
0xb: {  	[smem:$0x3F9E] =	sst s3  }
0xc: {  	[smem:$0x3F9F] =	sst s4  }
0xd: {  	[smem:$0x3FA0] =	sst s5  }
0xe: {  	[smem:$0x3FA1] =	sst s6  }
0xf: {  	[smem:$0x3FA2] =	sst s7  }
0x10: {  	[smem:$0x3FA3] =	sst s8  }
0x11: {  	[smem:$0x3FA4] =	sst s9;
	s0 =	simm.s32 @!p0 $0x0  }
0x12: {  	s1 =	sld [smem:$0x3F8A];
	s0 =	simm.s32 @p0 $0x1  }
0x13: {  	[smem:$0x3FA5] =	sst s0;
	s0 =	simm.s32 @!p1 $0x0  }
0x14: {  	s2 =	sld [smem:$0x3F89];
	s0 =	simm.s32 @p1 $0x1  }
0x15: {  	[smem:$0x3FA6] =	sst s0;
	s0 =	simm.s32 @!p2 $0x0  }
0x16: {  	s3 =	sld [smem:$0x3FDB];
	s0 =	simm.s32 @p2 $0x1  }
0x17: {  	s4 =	simm.s32 $0x1BF5;
	[smem:$0x3FA8] =	sst s0  }
0x18: {  	s0 =	sld [smem:$0x3F8B];
	_ =	swait.ge [sflag:s4], $0x0  }
0x19: {  	s7 =	sld [smem:$0x3F8C]  }
0x1a: {  	s8 =	sadd.s32 $0xFFFFE003, lr  }
0x1b: {  	s9 =	sadd.s32 $0xFFFFFEF7, lr;
	s5 =	simm.s32 $0xFFFFFFFF;
	p2 =	slt.u32 s8, $0xFFFFF086  }
0x1c: {  	p1 =	slt.u32 s9, $0xF7A;
	s5 =	simm.s32 @!p2 $0x0  }
0x1d: {  	s5 =	simm.s32 @p1 $0x1;
	p0 =	seq.s32 s7, s2  }
0x1e: {  	s7 =	smul.u32 @!p0 $0xF7A, s2;
	p2 =	seq.s32 @!p0 s5, $0x0  }
0x1f: {  	s9 =	smul.u32 $0xF7A, s1;
	s8 =	simm.s32 @!p0 $0x1BF5;
	p2 =	por !p2, p0  }
0x20: {  	[sflag:s8] =	ssyncset.s32 @!p0 $0xFFFFF086;
	s6 =	sadd.s32 @!p0 s3, s7;
	s7 =	simm.s32 @!p0 $0x108  }
0x21: {  	s3 =	sadd.s32 s3, s9;
	s6 =	sadd.s32 @!p0 $0x88, s6;
	s7 =	simm.s32 @p2 $0x1082  }
0x22: {  	[simem:s7], [sflag:s8] =	dma.local @!p0 [hbm:s6], $0xF7A  }
0x23: {  	s9 =	sor.u32 $0xD0000000, s2;
	s6 =	simm.s32 $0x108;
	_ =	swait.ge @!p0 [sflag:s8], $0x0  }
0x24: {  	s3 =	sadd.s32 $0x88, s3;
	s6 =	simm.s32 @!p1 $0x1082;
	[sflag:s4] =	ssyncset.s32 $0xFFFFF086  }
0x25: {  	[simem:s6], [sflag:s4] =	dma.local [hbm:s3], $0xF7A  }
0x26: {  	[smem:$0x3F8C] =	sst s1;
	(tag) =	ssettag s2;
	_ =	strace s9  }
0x27: {  	s1 =	sld [smem:$0x3F9C]  }
0x28: {  	s2 =	sld [smem:$0x3F9D]  }
0x29: {  	s4 =	sld [smem:$0x3F9F]  }
0x2a: {  	p0 =	seq.s32 s5, $0x0;
	s5 =	sld [smem:$0x3FA0]  }
0x2b: {  	s6 =	sld [smem:$0x3FA1]  }
0x2c: {  	s7 =	sld [smem:$0x3FA2]  }
0x2d: {  	s3 =	simm.s32 $0x108;
	s8 =	sld [smem:$0x3FA3]  }
0x2e: {  	s3 =	simm.s32 @!p0 $0x1082;
	s9 =	sld [smem:$0x3FA4]  }
0x2f: {  	lr =	sadd.s32 s0, s3;
	s0 =	sld [smem:$0x3F9B]  }
0x30: {  	s3 =	sld [smem:$0x3F9E]  }
0x31: {  	[smem:$0x3FA7] =	sst s10  }
0x32: {  	s10 =	sld [smem:$0x3FA5];
	_ =	sdelay $0x3  }
0x33: {  	p0 =	seq.s32 s10, $0x1;
	s10 =	sld [smem:$0x3FA7];
	_ =	sdelay $0x3  }
0x34: {  	[smem:$0x3FA7] =	sst s10  }
0x35: {  	s10 =	sld [smem:$0x3FA6];
	_ =	sdelay $0x3  }
0x36: {  	p1 =	seq.s32 s10, $0x1;
	s10 =	sld [smem:$0x3FA7];
	_ =	sdelay $0x3  }
0x37: {  	[smem:$0x3FA7] =	sst s10  }
0x38: {  	s10 =	sld [smem:$0x3FA8]  }
0x39: {  	_ = 	snop;
	(pc) =	sbr.ind lr, $3  }
0x3a: {  	_ = 	snop  }
0x3b: {  	_ = 	snop  }
0x3c: {  	p2 =	seq.s32 s10, $0x1;
	s10 =	sld [smem:$0x3FA7]  }
0x3d: {  	_ =	shalt  }
0x3e: {  	_ =	shalt  }
0x3f: {  	_ =	shalt  }
0x40: {  	_ =	shalt  }
0x41: {  	_ =	shalt  }
0x42: {  	_ =	shalt  }
0x43: {  	_ =	shalt  }
0x44: {  	_ =	shalt  }
0x45: {  	_ =	shalt  }
0x46: {  	_ =	shalt  }
0x47: {  	_ =	shalt  }
0x48: {  	_ =	shalt  }
0x49: {  	_ =	shalt  }
0x4a: {  	_ =	shalt  }
0x4b: {  	_ =	shalt  }
0x4c: {  	_ =	shalt  }
0x4d: {  	_ =	shalt  }
0x4e: {  	_ =	shalt  }
0x4f: {  	_ =	shalt  }
0x50: {  	_ =	shalt  }
0x51: {  	_ =	shalt  }
0x52: {  	_ =	shalt  }
0x53: {  	_ =	shalt  }
0x54: {  	_ =	shalt  }
0x55: {  	_ =	shalt  }
0x56: {  	_ =	shalt  }
0x57: {  	_ =	shalt  }
0x58: {  	_ =	shalt  }
0x59: {  	_ =	shalt  }
0x5a: {  	_ =	shalt  }
0x5b: {  	_ =	shalt  }
0x5c: {  	_ =	shalt  }
0x5d: {  	_ =	shalt  }
0x5e: {  	_ =	shalt  }
0x5f: {  	_ =	shalt  }
0x60: {  	_ =	shalt  }
0x61: {  	_ =	shalt  }
0x62: {  	_ =	shalt  }
0x63: {  	_ =	shalt  }
0x64: {  	_ =	shalt  }
0x65: {  	_ =	shalt  }
0x66: {  	_ =	shalt  }
0x67: {  	_ =	shalt  }
0x68: {  	_ =	shalt  }
0x69: {  	_ =	shalt  }
0x6a: {  	_ =	shalt  }
0x6b: {  	_ =	shalt  }
0x6c: {  	_ =	shalt  }
0x6d: {  	_ =	shalt  }
0x6e: {  	_ =	shalt  }
0x6f: {  	_ =	shalt  }
0x70: {  	_ =	shalt  }
0x71: {  	_ =	shalt  }
0x72: {  	_ =	shalt  }
0x73: {  	_ =	shalt  }
0x74: {  	_ =	shalt  }
0x75: {  	_ =	shalt  }
0x76: {  	_ =	shalt  }
0x77: {  	_ =	shalt  }
0x78: {  	_ =	shalt  }
0x79: {  	_ =	shalt  }
0x7a: {  	_ =	shalt  }
0x7b: {  	_ =	shalt  }
0x7c: {  	_ =	shalt  }
0x7d: {  	_ =	shalt  }
0x7e: {  	_ =	shalt  }
0x7f: {  	_ =	shalt  }
0x80: {  	_ =	shalt  }
0x81: {  	_ =	shalt  }
0x82: {  	_ =	shalt  }
0x83: {  	_ =	shalt  }
0x84: {  	_ =	shalt  }
0x85: {  	_ =	shalt  }
0x86: {  	_ =	shalt  }
0x87: {  	_ =	shalt  }
.Lfunc_end0:
.L_simem_size_0:
called_computation_lowered:
.L_overlay_start_0:
0x88: {  	s2 =	sld [smem:$0x3FD9]  }
0x89: {  	s3 =	sld [smem:$0x3FFE];
	_ =	sdelay $0x1  }
0x8a: {  	s1 =	srdreg.scid  }
0x8b: {  	s0 =	sand.u32 $0x1, s1  }
0x8c: {  	s14 =	sshll.u32 s0, $0xA;
	s2 =	sadd.s32 s3, s2  }
0x8d: {  	s2 =	sadd.s32 s2, s14  }
0x8e: {  	[smem:$0x3FB3] =	sst s2  }
0x8f: {  	_ = 	snop  }
0x90: {  	s2 =	sld [smem:$0x3FD0];
	_ =	sdelay $0x2  }
0x91: {  	s15 =	simm.s32 $0xA;
	s4 =	simm.s32 $0x10  }
0x92: {  	[smem:s4], [sflag:s15] =	dma.local [hbm:s2], $0x1  }
0x93: {  	_ =	swait.eq [sflag:s15], $0x1  }
0x94: {  	[sflag:s15] =	ssyncset.done $0x0  }
0x95: {  	[sflag:s15] =	ssyncadd.s32 $0xFFFFFFFF  }
0x96: {  	s16 =	sld [smem:$0x10];
	(tm) =	ssettm $0x1  }
0x97: {  	s17 =	sld [smem:$0x3FFB];
	_ =	sdelay $0x3  }
0x98: {  	_ =	strace s17  }
0x99: {  	s3 =	sld [smem:$0x3FFC];
	_ =	sdelay $0x3  }
0x9a: {  	_ =	strace s3  }
0x9b: {  	s3 =	sld [smem:$0x3FFD];
	_ =	sdelay $0x3  }
0x9c: {  	_ =	strace s3  }
0x9d: {  	_ =	strace $0x8FFFFFFF  }
0x9e: {  	s18 =	sld [smem:$0x3FDB];
	_ =	sdelay $0x1  }
0x9f: {  	s19 =	simm.s32 $_scs_section_size  }
0xa0: {  	s5 =	simm.s32 $_size__tile_overlayer_lowered;
	s6 =	simm.s32 $_tile_overlayer_lowered  }
0xa1: {  	s22 =	simm.s32 $0x1BFF;
	s21 =	sshll.u32 s6, $0x1;
	s3 =	sadd.s32 s19, s18  }
0xa2: {  	s7 =	simm.s32 $0x0;
	s20 =	sshll.u32 s5, $0x1;
	s5 =	sadd.s32 s21, s3  }
0xa3: {  	[timem:s7], [sflag:s22] =	dma.local [hbm:s5], s20  }
0xa4: {  	_ =	swait.ge [sflag:s22], s20  }
0xa5: {  	s4 =	ssub.s32 $0x0, s20;
	[sflag:s22] =	ssyncset.done $0x0  }
0xa6: {  	[sflag:s22] =	ssyncadd.s32 s4;
	_ =	sdelay $0x1  }
0xa7: {  	s23 =	simm.s32 $0x1B8B  }
0xa8: {  	_ =	swait.ge [sflag:s23], $0x1  }
0xa9: {  	[sflag:s23] =	ssyncset.done $0x0  }
0xaa: {  	s25 =	simm.s32 $0x1B8E;
	s24 =	sld [smem:$0x3FFE];
	[sflag:s23] =	ssyncadd.s32 $0xFFFFFFFF  }
0xab: {  	s26 =	simm.s32 $execute0_lowered;
	[smem:$0x3FD2] =	sst s25  }
0xac: {  	s5 =	sshll.u32 s26, $0x1;
	_ =	strace $0x80000046;
	[dreg:$0x1] =	wrdreg $0xFFFFFFFF  }
0xad: {  	s28 =	simm.s32 $_size_execute0_lowered;
	s3 =	sadd.s32 s3, s5;
	[dreg:$0x0] =	wrdreg $0x0  }
0xae: {  	s5 =	sshll.u32 s28, $0x1;
	[dreg:$0x2] =	wrdreg s3  }
0xaf: {  	[dreg:$0x3] =	wrdreg s5  }
0xb0: {  	[dreg:$0x4] =	wrdreg $0xC0  }
0xb1: {  	_ =	task [dreg:s7], $0x5FFFF  }
0xb2: {  	[dreg:$0x1] =	wrdreg $0xFFFFFFFF  }
0xb3: {  	[dreg:$0x0] =	wrdreg $0x60  }
0xb4: {  	[dreg:$0x2] =	wrdreg s24  }
0xb5: {  	[dreg:$0x3] =	wrdreg s16  }
0xb6: {  	[dreg:$0x4] =	wrdreg $0x50100  }
0xb7: {  	[dreg:$0x5] =	wrdreg $0x9  }
0xb8: {  	_ =	task.clear_ibuf [dreg:s7], $0x6FFFF;
	_ =	strace $0x90000046  }
0xb9: {  	s29 =	simm.s32 $0x9;
	_ =	strace $0x80000048  }
0xba: {  	_ =	swait.ge [sflag:s29], $0x1  }
0xbb: {  	[sflag:s29] =	ssyncadd.s32 $0xFFFFFFFF  }
0xbc: {  	_ =	strace $0x90000048  }
0xbd: {  	_ =	sfence  }
0xbe: {  	s30 =	sld [smem:$0x0];
	_ =	sdelay $0x2  }
0xbf: {  	s31 =	sshll.u32 s1, $0xD;
	s1 =	sshrl.u32 s1, $0x2  }
0xc0: {  	s3 =	sand.u32 $0x4000, s31;
	s1 =	sadd.s32 s1, s30  }
0xc1: {  	s0 =	sor.u32 s3, s0;
	s1 =	sshll.u32 s1, $0x11  }
0xc2: {  	s0 =	sor.u32 s1, s0  }
0xc3: {  	s0 =	sadd.s32 $0x8F2B, s0  }
0xc4: {  	[sflag:s0] =	ssyncadd.remote.s32 $0x1  }
0xc5: {  	_ =	sfence.sel $0xFFFF  }
0xc6: {  	[dreg:$0x0] =	wrdreg $0xFFFFFFFF;
	(pc) =	sbr.abs _section_cstart, $3  }
0xc7: {  	[dreg:$0x1] =	wrdreg $0xFFFFFFFF  }
0xc8: {  	_ =	task.clear_ibuf [dreg:s7], $0x2FFFF;
	_ =	strace $0x9FFFFFFF  }
0xc9: {  	(tm) =	ssettm $0x7FFFFFFF  }
tec
execute0_lowered:
.L_overlay_start_1:
0x0: {  	(tag) =	ssettag $0x1  }
0x1: {  	s0 =	rddreg [dreg:$0x0]  }
0x2: {  	s3 =	rddreg [dreg:$0x1];
	s13 =	stileid.u32  }
0x3: {  	s1 =	rddreg [dreg:$0x2];
	s7 =	smul.u32 $0x32000, s13  }
0x4: {  	s2 =	simm.s32 $0x0;
	s4 =	srdreg.scid;
	s12 =	smul.u32 $0xC4, s13  }
0x5: {  	s29 =	simm.s32 $0x80;
	s30 =	simm.s32 $0x3800;
	s17 =	smul.u32 $0x18700, s13  }
0x6: {  	s31 =	simm.s32 $0x3;
	[smem:$0x7FF] =	sst s2;
	s18 =	smul.u32 $0x1880, s13  }
0x7: {  	s4 =	sand.u32 $0x1, s4;
	s5 =	sadd.s32 $0x27EA00, s0;
	s13 =	smul.u32 $0x188, s13  }
0x8: {  	s16 =	simm.s32 $0x4000;
	_ =	strace $0x80000047;
	s6 =	smul.u32 $0x186A0, s4  }
0x9: {  	[dreg:$0x5] =	wrdreg s5;
	s9 =	smul.u32 $0x18700, s4;
	s8 =	ssub.s32 $0x2, s4  }
0xa: {  	s5 =	sadd.s32 $0x266200, s0;
	s4 =	smul.u32 $0xC40, s4;
	s11 =	sshrl.u32 s8, $0x1  }
0xb: {  	s7 =	sshrl.u32 s7, $0x2;
	s15 =	sshrl.u32 s17, $0x4;
	s19 =	sadd.s32 s5, s18  }
0xc: {  	s10 =	sadd.s32 s6, s0;
	s6 =	sadd.s32 $0x24DA00, s0;
	s0 =	sadd.s32 s9, s0  }
0xd: {  	s14 =	ssub.s32 s8, s11;
	s7 =	sadd.s32 s7, s1;
	s4 =	sadd.s32 s12, s4  }
0xe: {  	s8 =	sshrl.u32 s17, $0x1;
	[dreg:$0x7] =	wrdreg s19;
	s11 =	sadd.s32 $0x1C, s13  }
0xf: {  	s13 =	sadd.s32 $0x38, s13;
	s3 =	sadd.s32 s3, s9;
	s8 =	sadd.s32 s8, s1  }
0x10: {  	s17 =	simm.s32 $0x1;
	s20 =	sadd.s32 s6, s18;
	[dreg:$0x6] =	wrdreg s8  }
0x11: {  	s19 =	simm.s32 $0xD80;
	s21 =	smax.u32 s14, $0x1;
	[dreg:$0x8] =	wrdreg s20  }
0x12: {  	s4 =	sshll.u32 s4, $0x4;
	s28 =	sadd.s32 s15, s3;
	[dreg:$0xa] =	wrdreg s21  }
0x13: {  	s0 =	sadd.s32 $0x2E0600, s0;
	s4 =	sadd.s32 s6, s4;
	[dreg:$0x12] =	wrdreg s28  }
0x14: {  	s12 =	sadd.s32 $0x2AF800, s10;
	s0 =	sadd.s32 s15, s0;
	[dreg:$0x9] =	wrdreg s4  }
0x15: {  	s18 =	simm.s32 $0x2;
	s22 =	sadd.s32 $0x1C0, s4;
	[dreg:$0x11] =	wrdreg s0  }
0x16: {  	s14 =	simm.s32 $0x3700;
	s23 =	sadd.s32 $0x380, s4;
	[dreg:$0xb] =	wrdreg s22  }
0x17: {  	s3 =	simm.s32 $0x3780;
	s24 =	sadd.s32 $0x540, s4;
	[dreg:$0xc] =	wrdreg s23  }
0x18: {  	s15 =	simm.s32 $0x1C00;
	s25 =	sadd.s32 $0x700, s4;
	[dreg:$0xd] =	wrdreg s24  }
0x19: {  	s20 =	simm.s32 $0x2900;
	s26 =	sadd.s32 $0x8C0, s4;
	[dreg:$0xe] =	wrdreg s25  }
0x1a: {  	s21 =	simm.s32 $0x2980;
	s4 =	sadd.s32 $0xA80, s4;
	[dreg:$0xf] =	wrdreg s26  }
0x1b: {  	s0 =	simm.s32 $0xE00;
	[dreg:$0x10] =	wrdreg s4;
	s25 =	simm.s32 $0x4  }
0x1c: {  	v0 =	vimm.bf16 $1.0000e+00;
	v1 =	vimm.bf16 $0.0e+00;
	s26 =	simm.s32 $0x4800;
	s22 =	simm.s32 $0x2A00;
	s23 =	simm.s32 $0x1B80  }
.LBB2_1:
0x1d: {  	s4 =	simm.s32 $0x40;
	s9 =	simm.s32 $0x0  }
.LBB2_2:
0x1e: {  	p0 =	sne.s32 s4, $0x1FC0;
	[tilespmem:s9+$0x3800] =	vst v0;
	s10 =	smov.u32 s4;
	s4 =	sadd.s32 $0x40, s4  }
.Ltmp0:
0x1f: {  	[tilespmem:s9+$0x4800] =	vst v1;
	(pc) =	sbr.rel @p0 .LBB2_2-.Ltmp0, $2  }
0x20: {  	_ =	sdelay $0x2  }
0x21: {  	s9 =	sshra.s32 s10, $0x2  }
0x22: {  	[tilespmem:s9+$0x3800] =	vst v0  }
0x23: {  	[tilespmem:s9+$0x4800] =	vst v1;
	s4 =	simm.s32 $0x0;
	s8 =	rddreg [dreg:$0x5];
	s24 =	simm.s32 $0x5000  }
0x24: {  	[tilespmem:s24], [sflag:$0x4] =	stream.linear.gather [hbm4b:s8+s4], $0x10, $0x38;
	[tilespmem:$0x11810] =	vst v63  }
0x25: {  	_ =	swait.ge [sflag:s25], $0x10  }
0x26: {  	[sflag:s25] =	ssyncset.done $0x0  }
0x27: {  	[sflag:s25] =	ssyncadd.s32 $0xFFFFFFF0  }
0x28: {  	v2 =	vld [tilespmem:$0x5000];
	_ =	sdelay $0x4  }
0x29: {  	(xrf0) =	vadd.scan.msk.s32 $0xffff, v2;
	_ =	sdelay $0x5  }
0x2a: {  	v2, _, _ =	vpop (xrf0)  }
0x2b: {  	(v2sf) =	vpush v2, $0xF;
	_ =	sdelay $0xe  }
0x2c: {  	s28 =	spop (v2sf)  }
0x2d: {  	p0 =	slt.s32 s28, $0x1  }
.Ltmp1:
0x2e: {  	_ = 	snop;
	(pc) =	sbr.rel @p0 .LBB2_21-.Ltmp1, $1  }
0x2f: {  	_ =	sdelay $0x3  }
0x30: {  	s9 =	sshra.s32 s4, $0x2  }
0x31: {  	s9 =	sadd.s32 s9, s7  }
0x32: {  	[spmem:s9] =	stream.linear.scatter [tilespmem:s26], [sflag:$0x4], $0x800, $0x38;
	[tilespmem:$0x11810] =	vst v63  }
0x33: {  	s4 =	sadd.s32 $0x2000, s4;
	_ =	swait.ge [sflag:s25], $0x800  }
.LBB2_5:
0x34: {  	s9 =	sshra.s32 s4, $0x2;
	[sflag:s25] =	ssyncset.done $0x0;
	p0 =	sne.s32 s4, $0x30000  }
.Ltmp2:
0x35: {  	s9 =	sadd.s32 s9, s7;
	[sflag:s25] =	ssyncadd.s32 $0xFFFFF800;
	(pc) =	sbr.rel @p0 .LBB2_5-.Ltmp2, $3  }
0x36: {  	[spmem:s9] =	stream.linear.scatter [tilespmem:s26], [sflag:$0x4], $0x800, $0x38;
	[tilespmem:$0x11810] =	vst v63  }
0x37: {  	s4 =	sadd.s32 $0x2000, s4;
	_ =	sdelay $0x1  }
0x38: {  	_ =	swait.ge [sflag:s25], $0x800  }
0x39: {  	[sflag:s25] =	ssyncset.done $0x0  }
0x3a: {  	[sflag:s25] =	ssyncadd.s32 $0xFFFFF800  }
0x3b: {  	[bflag:$0x0] =	sbarrier.arrive $0xFFFF  }
0x3c: {  	s4 =	simm.s32 $0x0;
	s8 =	rddreg [dreg:$0x9]  }
0x3d: {  	[tilespmem:s15], [sflag:$0x4] =	stream.linear.gather [hbm4b:s8+s4], $0xE00, $0x38;
	[tilespmem:$0x11810] =	vst v63  }
0x3e: {  	_ =	swait.ge [sflag:s25], $0xE00  }
0x3f: {  	[sflag:s25] =	ssyncset.done $0x0  }
0x40: {  	s28 =	simm.s32 $0x1C00;
	[sflag:s25] =	ssyncadd.s32 $0xFFFFF200  }
0x41: {  	[spmem:s1] =	stream.indirect.scatter.add.bf16 [tilespmem:s30], [sflag:$0x4], $0x10, s28, s29, $0xb8;
	[tilespmem:$0x11810] =	vst v63  }
0x42: {  	s4 =	simm.s32 $0x200;
	_ =	swait.ge [sflag:s25], $0x800  }
.LBB2_7:
0x43: {  	s9 =	sshra.s32 s4, $0x2;
	[sflag:s25] =	ssyncset.done $0x0;
	p0 =	sne.s32 s4, $0x3600  }
.Ltmp3:
0x44: {  	s9 =	sadd.s32 $0x1C00, s9;
	[sflag:s25] =	ssyncadd.s32 $0xFFFFF800;
	(pc) =	sbr.rel @p0 .LBB2_7-.Ltmp3, $3  }
0x45: {  	[spmem:s1] =	stream.indirect.scatter.add.bf16 [tilespmem:s30], [sflag:$0x4], $0x10, s9, s29, $0xb8;
	[tilespmem:$0x11810] =	vst v63  }
0x46: {  	s4 =	sadd.s32 $0x200, s4;
	_ =	sdelay $0x1  }
0x47: {  	_ =	swait.ge [sflag:s25], $0x800  }
0x48: {  	[sflag:s25] =	ssyncset.done $0x0  }
0x49: {  	s4 =	simm.s32 $0x0;
	s8 =	rddreg [dreg:$0xb];
	[sflag:s25] =	ssyncadd.s32 $0xFFFFF800  }
0x4a: {  	[tilespmem:s15], [sflag:$0x4] =	stream.linear.gather [hbm4b:s8+s4], $0xE00, $0x38;
	[tilespmem:$0x11810] =	vst v63  }
0x4b: {  	_ =	swait.ge [sflag:s25], $0xE00  }
0x4c: {  	[sflag:s25] =	ssyncset.done $0x0  }
0x4d: {  	s28 =	simm.s32 $0x1C00;
	[sflag:s25] =	ssyncadd.s32 $0xFFFFF200  }
0x4e: {  	[spmem:s1] =	stream.indirect.scatter.add.bf16 [tilespmem:s30], [sflag:$0x4], $0x10, s28, s29, $0xb8;
	[tilespmem:$0x11810] =	vst v63  }
0x4f: {  	s4 =	simm.s32 $0x200;
	_ =	swait.ge [sflag:s25], $0x800  }
.LBB2_9:
0x50: {  	s9 =	sshra.s32 s4, $0x2;
	[sflag:s25] =	ssyncset.done $0x0;
	p0 =	sne.s32 s4, $0x3600  }
.Ltmp4:
0x51: {  	s9 =	sadd.s32 $0x1C00, s9;
	[sflag:s25] =	ssyncadd.s32 $0xFFFFF800;
	(pc) =	sbr.rel @p0 .LBB2_9-.Ltmp4, $3  }
0x52: {  	[spmem:s1] =	stream.indirect.scatter.add.bf16 [tilespmem:s30], [sflag:$0x4], $0x10, s9, s29, $0xb8;
	[tilespmem:$0x11810] =	vst v63  }
0x53: {  	s4 =	sadd.s32 $0x200, s4;
	_ =	sdelay $0x1  }
0x54: {  	_ =	swait.ge [sflag:s25], $0x800  }
0x55: {  	[sflag:s25] =	ssyncset.done $0x0  }
0x56: {  	s4 =	simm.s32 $0x0;
	s8 =	rddreg [dreg:$0xc];
	[sflag:s25] =	ssyncadd.s32 $0xFFFFF800  }
0x57: {  	[tilespmem:s15], [sflag:$0x4] =	stream.linear.gather [hbm4b:s8+s4], $0xE00, $0x38;
	[tilespmem:$0x11810] =	vst v63  }
0x58: {  	_ =	swait.ge [sflag:s25], $0xE00  }
0x59: {  	[sflag:s25] =	ssyncset.done $0x0  }
0x5a: {  	s28 =	simm.s32 $0x1C00;
	[sflag:s25] =	ssyncadd.s32 $0xFFFFF200  }
0x5b: {  	[spmem:s1] =	stream.indirect.scatter.add.bf16 [tilespmem:s30], [sflag:$0x4], $0x10, s28, s29, $0xb8;
	[tilespmem:$0x11810] =	vst v63  }
0x5c: {  	s4 =	simm.s32 $0x200;
	_ =	swait.ge [sflag:s25], $0x800  }
.LBB2_11:
0x5d: {  	s9 =	sshra.s32 s4, $0x2;
	[sflag:s25] =	ssyncset.done $0x0;
	p0 =	sne.s32 s4, $0x3600  }
.Ltmp5:
0x5e: {  	s9 =	sadd.s32 $0x1C00, s9;
	[sflag:s25] =	ssyncadd.s32 $0xFFFFF800;
	(pc) =	sbr.rel @p0 .LBB2_11-.Ltmp5, $3  }
0x5f: {  	[spmem:s1] =	stream.indirect.scatter.add.bf16 [tilespmem:s30], [sflag:$0x4], $0x10, s9, s29, $0xb8;
	[tilespmem:$0x11810] =	vst v63  }
0x60: {  	s4 =	sadd.s32 $0x200, s4;
	_ =	sdelay $0x1  }
0x61: {  	_ =	swait.ge [sflag:s25], $0x800  }
0x62: {  	[sflag:s25] =	ssyncset.done $0x0  }
0x63: {  	s4 =	simm.s32 $0x0;
	s8 =	rddreg [dreg:$0xd];
	[sflag:s25] =	ssyncadd.s32 $0xFFFFF800  }
0x64: {  	[tilespmem:s15], [sflag:$0x4] =	stream.linear.gather [hbm4b:s8+s4], $0xE00, $0x38;
	[tilespmem:$0x11810] =	vst v63  }
0x65: {  	_ =	swait.ge [sflag:s25], $0xE00  }
0x66: {  	[sflag:s25] =	ssyncset.done $0x0  }
0x67: {  	s28 =	simm.s32 $0x1C00;
	[sflag:s25] =	ssyncadd.s32 $0xFFFFF200  }
0x68: {  	[spmem:s1] =	stream.indirect.scatter.add.bf16 [tilespmem:s30], [sflag:$0x4], $0x10, s28, s29, $0xb8;
	[tilespmem:$0x11810] =	vst v63  }
0x69: {  	s4 =	simm.s32 $0x200;
	_ =	swait.ge [sflag:s25], $0x800  }
.LBB2_13:
0x6a: {  	s9 =	sshra.s32 s4, $0x2;
	[sflag:s25] =	ssyncset.done $0x0;
	p0 =	sne.s32 s4, $0x3600  }
.Ltmp6:
0x6b: {  	s9 =	sadd.s32 $0x1C00, s9;
	[sflag:s25] =	ssyncadd.s32 $0xFFFFF800;
	(pc) =	sbr.rel @p0 .LBB2_13-.Ltmp6, $3  }
0x6c: {  	[spmem:s1] =	stream.indirect.scatter.add.bf16 [tilespmem:s30], [sflag:$0x4], $0x10, s9, s29, $0xb8;
	[tilespmem:$0x11810] =	vst v63  }
0x6d: {  	s4 =	sadd.s32 $0x200, s4;
	_ =	sdelay $0x1  }
0x6e: {  	_ =	swait.ge [sflag:s25], $0x800  }
0x6f: {  	[sflag:s25] =	ssyncset.done $0x0  }
0x70: {  	s4 =	simm.s32 $0x0;
	s8 =	rddreg [dreg:$0xe];
	[sflag:s25] =	ssyncadd.s32 $0xFFFFF800  }
0x71: {  	[tilespmem:s15], [sflag:$0x4] =	stream.linear.gather [hbm4b:s8+s4], $0xE00, $0x38;
	[tilespmem:$0x11810] =	vst v63  }
0x72: {  	_ =	swait.ge [sflag:s25], $0xE00  }
0x73: {  	[sflag:s25] =	ssyncset.done $0x0  }
0x74: {  	s28 =	simm.s32 $0x1C00;
	[sflag:s25] =	ssyncadd.s32 $0xFFFFF200  }
0x75: {  	[spmem:s1] =	stream.indirect.scatter.add.bf16 [tilespmem:s30], [sflag:$0x4], $0x10, s28, s29, $0xb8;
	[tilespmem:$0x11810] =	vst v63  }
0x76: {  	s4 =	simm.s32 $0x200;
	_ =	swait.ge [sflag:s25], $0x800  }
.LBB2_15:
0x77: {  	s9 =	sshra.s32 s4, $0x2;
	[sflag:s25] =	ssyncset.done $0x0;
	p0 =	sne.s32 s4, $0x3600  }
.Ltmp7:
0x78: {  	s9 =	sadd.s32 $0x1C00, s9;
	[sflag:s25] =	ssyncadd.s32 $0xFFFFF800;
	(pc) =	sbr.rel @p0 .LBB2_15-.Ltmp7, $3  }
0x79: {  	[spmem:s1] =	stream.indirect.scatter.add.bf16 [tilespmem:s30], [sflag:$0x4], $0x10, s9, s29, $0xb8;
	[tilespmem:$0x11810] =	vst v63  }
0x7a: {  	s4 =	sadd.s32 $0x200, s4;
	_ =	sdelay $0x1  }
0x7b: {  	_ =	swait.ge [sflag:s25], $0x800  }
0x7c: {  	[sflag:s25] =	ssyncset.done $0x0  }
0x7d: {  	s4 =	simm.s32 $0x0;
	s8 =	rddreg [dreg:$0xf];
	[sflag:s25] =	ssyncadd.s32 $0xFFFFF800  }
0x7e: {  	[tilespmem:s15], [sflag:$0x4] =	stream.linear.gather [hbm4b:s8+s4], $0xE00, $0x38;
	[tilespmem:$0x11810] =	vst v63  }
0x7f: {  	_ =	swait.ge [sflag:s25], $0xE00  }
0x80: {  	[sflag:s25] =	ssyncset.done $0x0  }
0x81: {  	s28 =	simm.s32 $0x1C00;
	[sflag:s25] =	ssyncadd.s32 $0xFFFFF200  }
0x82: {  	[spmem:s1] =	stream.indirect.scatter.add.bf16 [tilespmem:s30], [sflag:$0x4], $0x10, s28, s29, $0xb8;
	[tilespmem:$0x11810] =	vst v63  }
0x83: {  	s4 =	simm.s32 $0x200;
	_ =	swait.ge [sflag:s25], $0x800  }
.LBB2_17:
0x84: {  	s9 =	sshra.s32 s4, $0x2;
	[sflag:s25] =	ssyncset.done $0x0;
	p0 =	sne.s32 s4, $0x3600  }
.Ltmp8:
0x85: {  	s9 =	sadd.s32 $0x1C00, s9;
	[sflag:s25] =	ssyncadd.s32 $0xFFFFF800;
	(pc) =	sbr.rel @p0 .LBB2_17-.Ltmp8, $3  }
0x86: {  	[spmem:s1] =	stream.indirect.scatter.add.bf16 [tilespmem:s30], [sflag:$0x4], $0x10, s9, s29, $0xb8;
	[tilespmem:$0x11810] =	vst v63  }
0x87: {  	s4 =	sadd.s32 $0x200, s4;
	_ =	sdelay $0x1  }
0x88: {  	_ =	swait.ge [sflag:s25], $0x800  }
0x89: {  	[sflag:s25] =	ssyncset.done $0x0  }
0x8a: {  	s4 =	simm.s32 $0x0;
	s8 =	rddreg [dreg:$0x10];
	[sflag:s25] =	ssyncadd.s32 $0xFFFFF800  }
0x8b: {  	[tilespmem:s15], [sflag:$0x4] =	stream.linear.gather [hbm4b:s8+s4], $0xE00, $0x38;
	[tilespmem:$0x11810] =	vst v63  }
0x8c: {  	_ =	swait.ge [sflag:s25], $0xE00  }
0x8d: {  	[sflag:s25] =	ssyncset.done $0x0  }
0x8e: {  	s28 =	simm.s32 $0x1C00;
	[sflag:s25] =	ssyncadd.s32 $0xFFFFF200  }
0x8f: {  	[spmem:s1] =	stream.indirect.scatter.add.bf16 [tilespmem:s30], [sflag:$0x4], $0x10, s28, s29, $0xb8;
	[tilespmem:$0x11810] =	vst v63  }
0x90: {  	s4 =	simm.s32 $0x200;
	_ =	swait.ge [sflag:s25], $0x800  }
.LBB2_19:
0x91: {  	s9 =	sshra.s32 s4, $0x2;
	[sflag:s25] =	ssyncset.done $0x0;
	p0 =	sne.s32 s4, $0x3600  }
.Ltmp9:
0x92: {  	s9 =	sadd.s32 $0x1C00, s9;
	[sflag:s25] =	ssyncadd.s32 $0xFFFFF800;
	(pc) =	sbr.rel @p0 .LBB2_19-.Ltmp9, $3  }
0x93: {  	[spmem:s1] =	stream.indirect.scatter.add.bf16 [tilespmem:s30], [sflag:$0x4], $0x10, s9, s29, $0xb8;
	[tilespmem:$0x11810] =	vst v63  }
0x94: {  	s4 =	sadd.s32 $0x200, s4;
	_ =	sdelay $0x1  }
0x95: {  	_ =	swait.ge [sflag:s25], $0x800  }
0x96: {  	[sflag:s25] =	ssyncset.done $0x0  }
0x97: {  	[sflag:s25] =	ssyncadd.s32 $0xFFFFF800  }
0x98: {  	s4 =	stileid.u32;
	[bflag:$0x0] =	sbarrier.arrive $0xFFFF  }
0x99: {  	s4 =	sshll.u32 s4, $0x6;
	s8 =	rddreg [dreg:$0x6]  }
0x9a: {  	s4 =	sor.u32 $0x1C04, s4;
	s28 =	rddreg [dreg:$0x11];
	s9 =	sshrl.u32 s8, $0x3  }
0x9b: {  	[hbm:s28], [sflag:s4] =	dma.local [spmem:s9], $0x1870  }
0x9c: {  	_ =	swait.ge [sflag:s25], $0x1870  }
0x9d: {  	[sflag:s25] =	ssyncset.done $0x0  }
0x9e: {  	[sflag:s25] =	ssyncadd.s32 $0xFFFFE790  }
0x9f: {  	[bflag:$0x0] =	sbarrier.arrive $0xFFFF  }
.LBB2_21:
0xa0: {  	s4 =	sadd.s32 $0x0, s7  }
0xa1: {  	[spmem:s4] =	stream.linear.scatter [tilespmem:s26], [sflag:$0x4], $0x800, $0x38;
	[tilespmem:$0x11810] =	vst v63  }
0xa2: {  	s4 =	simm.s32 $0x2000;
	_ =	swait.ge [sflag:s25], $0x800  }
.LBB2_22:
0xa3: {  	s9 =	sshra.s32 s4, $0x2;
	[sflag:s25] =	ssyncset.done $0x0;
	p0 =	sne.s32 s4, $0x30000  }
.Ltmp10:
0xa4: {  	s9 =	sadd.s32 s9, s7;
	[sflag:s25] =	ssyncadd.s32 $0xFFFFF800;
	(pc) =	sbr.rel @p0 .LBB2_22-.Ltmp10, $3  }
0xa5: {  	[spmem:s9] =	stream.linear.scatter [tilespmem:s26], [sflag:$0x4], $0x800, $0x38;
	[tilespmem:$0x11810] =	vst v63  }
0xa6: {  	s4 =	sadd.s32 $0x2000, s4;
	_ =	sdelay $0x1  }
0xa7: {  	_ =	swait.ge [sflag:s25], $0x800  }
0xa8: {  	[dreg:$0x4] =	wrdreg s2;
	[sflag:s25] =	ssyncset.done $0x0  }
0xa9: {  	s4 =	simm.s32 $0x0;
	s24 =	rddreg [dreg:$0x7];
	[sflag:s25] =	ssyncadd.s32 $0xFFFFF800  }
0xaa: {  	[tilespmem:s4], [sflag:$0x3] =	stream.linear.gather [hbm4b:s24+s4], $0xE00, $0x38;
	[tilespmem:$0x11810] =	vst v63  }
0xab: {  	s28 =	rddreg [dreg:$0x8]  }
0xac: {  	[tilespmem:s15], [sflag:$0x3] =	stream.linear.gather [hbm4b:s28+s4], $0xE00, $0x38;
	[tilespmem:$0x11810] =	vst v63  }
0xad: {  	s9 =	simm.s32 $0x0;
	[bflag:$0x0] =	sbarrier.arrive $0xFFFF  }
.LBB2_24:
0xae: {  	_ =	swait.ge [sflag:s31], $0xE00  }
0xaf: {  	s10 =	smul.u32 $0x38, s9;
	[sflag:s31] =	ssyncset.done $0x0  }
0xb0: {  	[sflag:s31] =	ssyncadd.s32 $0xFFFFF200  }
0xb1: {  	s15 =	sadd.s32 s10, s11;
	_ =	swait.ge [sflag:s31], $0xE00  }
0xb2: {  	s15 =	sshll.u32 s15, $0x4;
	[sflag:s31] =	ssyncset.done $0x0  }
0xb3: {  	s24 =	sadd.s32 s5, s15;
	[sflag:s31] =	ssyncadd.s32 $0xFFFFF200  }
0xb4: {  	[tilespmem:s0], [sflag:$0x3] =	stream.linear.gather [hbm4b:s24+s4], $0xE00, $0x38;
	[tilespmem:$0x11810] =	vst v63  }
0xb5: {  	s15 =	sadd.s32 s6, s15  }
0xb6: {  	[tilespmem:s22], [sflag:$0x3] =	stream.linear.gather [hbm4b:s15+s4], $0xE00, $0x38;
	[tilespmem:$0x11810] =	vst v63  }
0xb7: {  	_ = 	snop  }
0xb8: {  	[tilespmem:s30], [sflag:$0x1] =	stream.indirect.gather [hbm4b:s12+s29], $0x10, s4, s29, $0xb8;
	[tilespmem:$0x11810] =	vst v63  }
0xb9: {  	s2 =	simm.s32 $0x80  }
0xba: {  	[tilespmem:s16], [sflag:$0x2] =	stream.indirect.gather [hbm4b:s12+s29], $0x10, s2, s29, $0xb8;
	[tilespmem:$0x11810] =	vst v63  }
0xbb: {  	_ =	swait.ge [sflag:s17], $0x800  }
0xbc: {  	[sflag:s17] =	ssyncset.done $0x0  }
0xbd: {  	s8 =	simm.s32 $0x1C00;
	[sflag:s17] =	ssyncadd.s32 $0xFFFFF800  }
0xbe: {  	[spmem:s1] =	stream.indirect.scatter.add.bf16 [tilespmem:s30], [sflag:$0x4], $0x10, s8, s29, $0xb8;
	[tilespmem:$0x11810] =	vst v63  }
0xbf: {  	_ =	swait.ge [sflag:s25], $0x800  }
0xc0: {  	[sflag:s25] =	ssyncset.done $0x0  }
0xc1: {  	s24 =	simm.s32 $0x100;
	[sflag:s25] =	ssyncadd.s32 $0xFFFFF800  }
0xc2: {  	[tilespmem:s30], [sflag:$0x1] =	stream.indirect.gather [hbm4b:s12+s29], $0x10, s24, s29, $0xb8;
	[tilespmem:$0x11810] =	vst v63  }
0xc3: {  	_ =	swait.ge [sflag:s18], $0x800  }
0xc4: {  	[sflag:s18] =	ssyncset.done $0x0  }
0xc5: {  	s28 =	simm.s32 $0x1C80;
	[sflag:s18] =	ssyncadd.s32 $0xFFFFF800  }
0xc6: {  	[spmem:s1] =	stream.indirect.scatter.add.bf16 [tilespmem:s16], [sflag:$0x4], $0x10, s28, s29, $0xb8;
	[tilespmem:$0x11810] =	vst v63  }
0xc7: {  	_ =	swait.ge [sflag:s25], $0x800  }
0xc8: {  	s15 =	simm.s32 $0x100;
	s24 =	simm.s32 $0x800;
	[sflag:s25] =	ssyncset.done $0x0  }
.LBB2_25:
0xc9: {  	s8 =	sadd.s32 $0x80, s15  }
0xca: {  	[sflag:s25] =	ssyncadd.s32 $0xFFFFF800;
	s28 =	smov.u32 s24;
	s2 =	sadd.s32 $0x400, s24  }
0xcb: {  	[tilespmem:s16], [sflag:$0x2] =	stream.indirect.gather [hbm4b:s12+s29], $0x10, s8, s29, $0xb8;
	[tilespmem:$0x11810] =	vst v63  }
0xcc: {  	p0 =	sne.s32 s24, $0x3000;
	_ =	swait.ge [sflag:s17], $0x800  }
0xcd: {  	[sflag:s17] =	ssyncset.done $0x0  }
0xce: {  	s8 =	sadd.s32 $0x1C00, s15;
	[sflag:s17] =	ssyncadd.s32 $0xFFFFF800  }
0xcf: {  	[spmem:s1] =	stream.indirect.scatter.add.bf16 [tilespmem:s30], [sflag:$0x4], $0x10, s8, s29, $0xb8;
	[tilespmem:$0x11810] =	vst v63  }
0xd0: {  	_ =	swait.ge [sflag:s25], $0x800  }
0xd1: {  	[sflag:s25] =	ssyncset.done $0x0  }
0xd2: {  	s8 =	sadd.s32 $0x100, s15;
	[sflag:s25] =	ssyncadd.s32 $0xFFFFF800  }
0xd3: {  	[tilespmem:s30], [sflag:$0x1] =	stream.indirect.gather [hbm4b:s12+s29], $0x10, s8, s29, $0xb8;
	[tilespmem:$0x11810] =	vst v63  }
0xd4: {  	_ =	swait.ge [sflag:s18], $0x800  }
.Ltmp11:
0xd5: {  	[sflag:s18] =	ssyncset.done $0x0;
	(pc) =	sbr.rel @p0 .LBB2_25-.Ltmp11, $4  }
0xd6: {  	s8 =	sadd.s32 $0x1C80, s15;
	[sflag:s18] =	ssyncadd.s32 $0xFFFFF800  }
0xd7: {  	[spmem:s1] =	stream.indirect.scatter.add.bf16 [tilespmem:s16], [sflag:$0x4], $0x10, s8, s29, $0xb8;
	[tilespmem:$0x11810] =	vst v63  }
0xd8: {  	_ =	swait.ge [sflag:s25], $0x800  }
0xd9: {  	s24 =	smov.u32 s2;
	s15 =	sshra.s32 s28, $0x2;
	[sflag:s25] =	ssyncset.done $0x0  }
0xda: {  	s2 =	sadd.s32 $0x80, s15;
	[sflag:s25] =	ssyncadd.s32 $0xFFFFF800  }
0xdb: {  	[tilespmem:s16], [sflag:$0x2] =	stream.indirect.gather [hbm4b:s12+s29], $0x10, s2, s29, $0xb8;
	[tilespmem:$0x11810] =	vst v63  }
0xdc: {  	_ =	swait.ge [sflag:s17], $0x800  }
0xdd: {  	[sflag:s17] =	ssyncset.done $0x0  }
0xde: {  	s24 =	sadd.s32 $0x1C00, s15;
	[sflag:s17] =	ssyncadd.s32 $0xFFFFF800  }
0xdf: {  	[spmem:s1] =	stream.indirect.scatter.add.bf16 [tilespmem:s30], [sflag:$0x4], $0x10, s24, s29, $0xb8;
	[tilespmem:$0x11810] =	vst v63  }
0xe0: {  	_ =	swait.ge [sflag:s25], $0x800  }
0xe1: {  	[sflag:s25] =	ssyncset.done $0x0  }
0xe2: {  	s28 =	sadd.s32 $0x100, s15;
	[sflag:s25] =	ssyncadd.s32 $0xFFFFF800  }
0xe3: {  	[tilespmem:s30], [sflag:$0x1] =	stream.indirect.gather [hbm4b:s12+s29], $0x10, s28, s29, $0xb8;
	[tilespmem:$0x11810] =	vst v63  }
0xe4: {  	_ =	swait.ge [sflag:s18], $0x800  }
0xe5: {  	[sflag:s18] =	ssyncset.done $0x0  }
0xe6: {  	s8 =	sadd.s32 $0x1C80, s15;
	[sflag:s18] =	ssyncadd.s32 $0xFFFFF800  }
0xe7: {  	[spmem:s1] =	stream.indirect.scatter.add.bf16 [tilespmem:s16], [sflag:$0x4], $0x10, s8, s29, $0xb8;
	[tilespmem:$0x11810] =	vst v63  }
0xe8: {  	_ =	swait.ge [sflag:s25], $0x800  }
0xe9: {  	[sflag:s25] =	ssyncset.done $0x0  }
0xea: {  	[sflag:s25] =	ssyncadd.s32 $0xFFFFF800  }
0xeb: {  	[tilespmem:s16], [sflag:$0x2] =	stream.indirect.gather [hbm4b:s12+s29], $0x10, s19, s29, $0xb8;
	[tilespmem:$0x11810] =	vst v63  }
0xec: {  	_ =	swait.ge [sflag:s17], $0x800  }
0xed: {  	[sflag:s17] =	ssyncset.done $0x0  }
0xee: {  	[sflag:s17] =	ssyncadd.s32 $0xFFFFF800  }
0xef: {  	[spmem:s1] =	stream.indirect.scatter.add.bf16 [tilespmem:s30], [sflag:$0x4], $0x10, s20, s29, $0xb8;
	[tilespmem:$0x11810] =	vst v63  }
0xf0: {  	_ =	swait.ge [sflag:s25], $0x800  }
0xf1: {  	[sflag:s25] =	ssyncset.done $0x0  }
0xf2: {  	[sflag:s25] =	ssyncadd.s32 $0xFFFFF800  }
0xf3: {  	_ =	swait.ge [sflag:s18], $0x800  }
0xf4: {  	[sflag:s18] =	ssyncset.done $0x0  }
0xf5: {  	[sflag:s18] =	ssyncadd.s32 $0xFFFFF800  }
0xf6: {  	[spmem:s1] =	stream.indirect.scatter.add.bf16 [tilespmem:s16], [sflag:$0x4], $0x10, s21, s29, $0xb8;
	[tilespmem:$0x11810] =	vst v63  }
0xf7: {  	_ =	swait.ge [sflag:s25], $0x800  }
0xf8: {  	[sflag:s25] =	ssyncset.done $0x0  }
0xf9: {  	[sflag:s25] =	ssyncadd.s32 $0xFFFFF800  }
0xfa: {  	_ =	swait.ge [sflag:s31], $0xE00  }
0xfb: {  	[sflag:s31] =	ssyncset.done $0x0  }
0xfc: {  	p0 =	seq.s32 s9, $0x6;
	[sflag:s31] =	ssyncadd.s32 $0xFFFFF200  }
0xfd: {  	s2 =	sadd.s32 @!p0 s10, s13;
	_ =	swait.ge [sflag:s31], $0xE00  }
0xfe: {  	s2 =	sshll.u32 @!p0 s2, $0x4;
	[sflag:s31] =	ssyncset.done $0x0  }
0xff: {  	s10 =	simm.s32 @!p0 $0x0;
	s8 =	sadd.s32 @!p0 s5, s2;
	[sflag:s31] =	ssyncadd.s32 $0xFFFFF200  }
0x100: {  	[tilespmem:s10], [sflag:$0x3] =	stream.linear.gather @!p0 [hbm4b:s8+s10], $0xE00, $0x38;
	[tilespmem:$0x11810] =	vst v63  }
0x101: {  	s2 =	sadd.s32 @!p0 s6, s2;
	s8 =	simm.s32 @!p0 $0x1C00  }
0x102: {  	[tilespmem:s8], [sflag:$0x3] =	stream.linear.gather @!p0 [hbm4b:s2+s10], $0xE00, $0x38;
	[tilespmem:$0x11810] =	vst v63  }
0x103: {  	_ = 	snop  }
0x104: {  	[tilespmem:s30], [sflag:$0x1] =	stream.indirect.gather [hbm4b:s12+s29], $0x10, s0, s29, $0xb8;
	[tilespmem:$0x11810] =	vst v63  }
0x105: {  	s10 =	simm.s32 $0xE80  }
0x106: {  	[tilespmem:s16], [sflag:$0x2] =	stream.indirect.gather [hbm4b:s12+s29], $0x10, s10, s29, $0xb8;
	[tilespmem:$0x11810] =	vst v63  }
0x107: {  	_ =	swait.ge [sflag:s17], $0x800  }
0x108: {  	[sflag:s17] =	ssyncset.done $0x0  }
0x109: {  	s15 =	simm.s32 $0x2A00;
	[sflag:s17] =	ssyncadd.s32 $0xFFFFF800  }
0x10a: {  	[spmem:s1] =	stream.indirect.scatter.add.bf16 [tilespmem:s30], [sflag:$0x4], $0x10, s15, s29, $0xb8;
	[tilespmem:$0x11810] =	vst v63  }
0x10b: {  	_ =	swait.ge [sflag:s25], $0x800  }
0x10c: {  	[sflag:s25] =	ssyncset.done $0x0  }
0x10d: {  	s24 =	simm.s32 $0xF00;
	[sflag:s25] =	ssyncadd.s32 $0xFFFFF800  }
0x10e: {  	[tilespmem:s30], [sflag:$0x1] =	stream.indirect.gather [hbm4b:s12+s29], $0x10, s24, s29, $0xb8;
	[tilespmem:$0x11810] =	vst v63  }
0x10f: {  	_ =	swait.ge [sflag:s18], $0x800  }
0x110: {  	[sflag:s18] =	ssyncset.done $0x0  }
0x111: {  	s28 =	simm.s32 $0x2A80;
	[sflag:s18] =	ssyncadd.s32 $0xFFFFF800  }
0x112: {  	[spmem:s1] =	stream.indirect.scatter.add.bf16 [tilespmem:s16], [sflag:$0x4], $0x10, s28, s29, $0xb8;
	[tilespmem:$0x11810] =	vst v63  }
0x113: {  	_ =	swait.ge [sflag:s25], $0x800  }
0x114: {  	s10 =	simm.s32 $0xFFFFF400;
	s15 =	simm.s32 $0xFFFFD400;
	[sflag:s25] =	ssyncset.done $0x0  }
.LBB2_27:
0x115: {  	s2 =	sadd.s32 $0x1B80, s10  }
0x116: {  	[sflag:s25] =	ssyncadd.s32 $0xFFFFF800;
	s8 =	smov.u32 s15;
	s24 =	sadd.s32 $0x400, s15  }
0x117: {  	[tilespmem:s16], [sflag:$0x2] =	stream.indirect.gather [hbm4b:s12+s29], $0x10, s2, s29, $0xb8;
	[tilespmem:$0x11810] =	vst v63  }
0x118: {  	p0 =	sne.s32 s15, $0xFFFFFC00;
	_ =	swait.ge [sflag:s17], $0x800  }
0x119: {  	[sflag:s17] =	ssyncset.done $0x0  }
0x11a: {  	s2 =	sadd.s32 $0x3700, s10;
	[sflag:s17] =	ssyncadd.s32 $0xFFFFF800  }
0x11b: {  	[spmem:s1] =	stream.indirect.scatter.add.bf16 [tilespmem:s30], [sflag:$0x4], $0x10, s2, s29, $0xb8;
	[tilespmem:$0x11810] =	vst v63  }
0x11c: {  	_ =	swait.ge [sflag:s25], $0x800  }
0x11d: {  	[sflag:s25] =	ssyncset.done $0x0  }
0x11e: {  	s2 =	sadd.s32 $0x1C00, s10;
	[sflag:s25] =	ssyncadd.s32 $0xFFFFF800  }
0x11f: {  	[tilespmem:s30], [sflag:$0x1] =	stream.indirect.gather [hbm4b:s12+s29], $0x10, s2, s29, $0xb8;
	[tilespmem:$0x11810] =	vst v63  }
0x120: {  	_ =	swait.ge [sflag:s18], $0x800  }
.Ltmp12:
0x121: {  	[sflag:s18] =	ssyncset.done $0x0;
	(pc) =	sbr.rel @p0 .LBB2_27-.Ltmp12, $4  }
0x122: {  	s2 =	sadd.s32 $0x3780, s10;
	[sflag:s18] =	ssyncadd.s32 $0xFFFFF800  }
0x123: {  	[spmem:s1] =	stream.indirect.scatter.add.bf16 [tilespmem:s16], [sflag:$0x4], $0x10, s2, s29, $0xb8;
	[tilespmem:$0x11810] =	vst v63  }
0x124: {  	_ =	swait.ge [sflag:s25], $0x800  }
0x125: {  	s15 =	smov.u32 s24;
	s10 =	sshra.s32 s8, $0x2;
	[sflag:s25] =	ssyncset.done $0x0  }
0x126: {  	s2 =	sadd.s32 $0x1B80, s10;
	[sflag:s25] =	ssyncadd.s32 $0xFFFFF800  }
0x127: {  	[tilespmem:s16], [sflag:$0x2] =	stream.indirect.gather [hbm4b:s12+s29], $0x10, s2, s29, $0xb8;
	[tilespmem:$0x11810] =	vst v63  }
0x128: {  	_ =	swait.ge [sflag:s17], $0x800  }
0x129: {  	[sflag:s17] =	ssyncset.done $0x0  }
0x12a: {  	s15 =	sadd.s32 $0x3700, s10;
	[sflag:s17] =	ssyncadd.s32 $0xFFFFF800  }
0x12b: {  	[spmem:s1] =	stream.indirect.scatter.add.bf16 [tilespmem:s30], [sflag:$0x4], $0x10, s15, s29, $0xb8;
	[tilespmem:$0x11810] =	vst v63  }
0x12c: {  	_ =	swait.ge [sflag:s25], $0x800  }
0x12d: {  	[sflag:s25] =	ssyncset.done $0x0  }
0x12e: {  	s24 =	sadd.s32 $0x1C00, s10;
	[sflag:s25] =	ssyncadd.s32 $0xFFFFF800  }
0x12f: {  	[tilespmem:s30], [sflag:$0x1] =	stream.indirect.gather [hbm4b:s12+s29], $0x10, s24, s29, $0xb8;
	[tilespmem:$0x11810] =	vst v63  }
0x130: {  	_ =	swait.ge [sflag:s18], $0x800  }
0x131: {  	[sflag:s18] =	ssyncset.done $0x0  }
0x132: {  	s28 =	sadd.s32 $0x3780, s10;
	[sflag:s18] =	ssyncadd.s32 $0xFFFFF800  }
0x133: {  	[spmem:s1] =	stream.indirect.scatter.add.bf16 [tilespmem:s16], [sflag:$0x4], $0x10, s28, s29, $0xb8;
	[tilespmem:$0x11810] =	vst v63  }
0x134: {  	_ =	swait.ge [sflag:s25], $0x800  }
0x135: {  	[sflag:s25] =	ssyncset.done $0x0  }
0x136: {  	[sflag:s25] =	ssyncadd.s32 $0xFFFFF800  }
0x137: {  	[tilespmem:s16], [sflag:$0x2] =	stream.indirect.gather [hbm4b:s12+s29], $0x10, s23, s29, $0xb8;
	[tilespmem:$0x11810] =	vst v63  }
0x138: {  	_ =	swait.ge [sflag:s17], $0x800  }
0x139: {  	[sflag:s17] =	ssyncset.done $0x0  }
0x13a: {  	[sflag:s17] =	ssyncadd.s32 $0xFFFFF800  }
0x13b: {  	[spmem:s1] =	stream.indirect.scatter.add.bf16 [tilespmem:s30], [sflag:$0x4], $0x10, s14, s29, $0xb8;
	[tilespmem:$0x11810] =	vst v63  }
0x13c: {  	_ =	swait.ge [sflag:s25], $0x800  }
0x13d: {  	[sflag:s25] =	ssyncset.done $0x0  }
0x13e: {  	[sflag:s25] =	ssyncadd.s32 $0xFFFFF800  }
0x13f: {  	s9 =	sadd.s32 $0x1, s9;
	_ =	swait.ge [sflag:s18], $0x800  }
0x140: {  	p0 =	sne.s32 s9, $0x7;
	[sflag:s18] =	ssyncset.done $0x0  }
.Ltmp13:
0x141: {  	[sflag:s18] =	ssyncadd.s32 $0xFFFFF800;
	(pc) =	sbr.rel @p0 .LBB2_24-.Ltmp13, $4  }
0x142: {  	[spmem:s1] =	stream.indirect.scatter.add.bf16 [tilespmem:s16], [sflag:$0x4], $0x10, s3, s29, $0xb8;
	[tilespmem:$0x11810] =	vst v63  }
0x143: {  	_ =	swait.ge [sflag:s25], $0x800  }
0x144: {  	[sflag:s25] =	ssyncset.done $0x0  }
0x145: {  	[sflag:s25] =	ssyncadd.s32 $0xFFFFF800  }
0x146: {  	s2 =	stileid.u32;
	[bflag:$0x0] =	sbarrier.arrive $0xFFFF  }
0x147: {  	s2 =	sshll.u32 s2, $0x6;
	s4 =	rddreg [dreg:$0x6]  }
0x148: {  	s8 =	rddreg [dreg:$0x12];
	s2 =	sor.u32 $0x1C04, s2;
	s4 =	sshrl.u32 s4, $0x3  }
0x149: {  	[hbm:s8], [sflag:s2] =	dma.local [spmem:s4], $0x1870  }
0x14a: {  	_ =	swait.ge [sflag:s25], $0x1870  }
0x14b: {  	s24 =	rddreg [dreg:$0x4]  }
0x14c: {  	s28 =	rddreg [dreg:$0xa];
	s2 =	sadd.s32 $0x1, s24  }
0x14d: {  	p0 =	sne.s32 s2, s28  }
.Ltmp14:
0x14e: {  	_ = 	snop;
	(pc) =	sbr.rel @p0 .LBB2_1-.Ltmp14, $3  }
0x14f: {  	_ =	sdelay $0x1  }
0x150: {  	[sflag:s25] =	ssyncset.done $0x0  }
0x151: {  	s15 =	simm.s32 $0x1C00;
	[sflag:s25] =	ssyncadd.s32 $0xFFFFE790  }
0x152: {  	_ =	sfence.sel $0x180000  }
0x153: {  	[bflag:$0x0] =	sbarrier.arrive $0xFFFF  }
0x154: {  	_ =	strace $0x90000047  }
0x155: {  	s0 =	stileid.u32;
	[bflag:$0x2] =	sbarrier.arrive $0xFFFF  }
0x156: {  	p0 =	sne.s32 s0, $0x0;
	s0 =	rddreg [dreg:$0x3]  }
0x157: {  	s0 =	sadd.s32 @!p0 $0x100000, s0  }
0x158: {  	[sflag:s0] =	ssyncadd.tile.s32 @!p0 $0x1;
	_ =	shalt  }
.Lfunc_end2:
_tile_overlayer_lowered:
.L_overlay_start_2:
0x159: {  	(tag) =	ssettag $0x2  }
0x15a: {  	s0 =	rddreg [dreg:$0x0];
	s2 =	stileid.u32  }
0x15b: {  	s1 =	rddreg [dreg:$0x1];
	p0 =	sne.s32 s2, $0x0  }
0x15c: {  	s3 =	rddreg [dreg:$0x2];
	[bflag:$0x3] =	sbarrier.arrive $0xFFFF;
	s2 =	simm.s32 @!p0 $0x1C04  }
0x15d: {  	[timem:s3], [sflag:s2] =	dma.local @!p0 [hbm:s0], s1  }
0x15e: {  	s0 =	simm.s32 @!p0 $0x4  }
0x15f: {  	_ =	swait.ge @!p0 [sflag:s0], s1  }
0x160: {  	s1 =	ssub.s32 @!p0 $0x0, s1;
	[sflag:s0] =	ssyncset.done @!p0 $0x0  }
0x161: {  	[sflag:s0] =	ssyncadd.s32 @!p0 s1  }
0x162: {  	[bflag:$0x3] =	sbarrier.arrive $0xFFFF  }
0x163: {  	_ =	shalt  }

</sc_bundles>
